<compile_context>
chip_gen: v7x
topology: tpu7x:2x2x1
jax: 0.10.2.dev20260603
libtpu: 0.0.44.dev20260713+nightly
codegen_flags: <defaults>
</compile_context>

<pallas_src>
import jax
import jax.numpy as jnp
from jax import lax
from jax.experimental import pallas as pl
from jax.experimental.pallas import tpu as pltpu
from jax.experimental.pallas import tpu_sc as plsc

N_TOKENS = 8192
N_EMBD = 4096
NUM_EXPERTS = 64
TOP_K = 8

BM = 512
BK = 4096
KB = N_EMBD // BK

_NC = 2
_NS = 16
_L = 16
_NW = _NC * _NS

def _matmul_body(x_ref, w_ref, b_ref, noise_ref, z_ref):
    acc = jnp.dot(x_ref[...], w_ref[...],
                  preferred_element_type=jnp.float32) + b_ref[...]
    logits = acc[:, :NUM_EXPERTS]
    nlog = acc[:, NUM_EXPERTS:]
    softplus = jnp.maximum(nlog, 0.0) + jnp.log1p(jnp.exp(-jnp.abs(nlog)))
    z_ref[...] = logits + noise_ref[...] * softplus


def _noisy_logits(x, w, b, noise):
    m = x.shape[0]
    grid = (m // BM,)
    return pl.pallas_call(
        _matmul_body,
        grid=grid,
        in_specs=[
            pl.BlockSpec((BM, BK), lambda i: (i, 0)),
            pl.BlockSpec((BK, 2 * NUM_EXPERTS), lambda i: (0, 0)),
            pl.BlockSpec((1, 2 * NUM_EXPERTS), lambda i: (0, 0)),
            pl.BlockSpec((BM, NUM_EXPERTS), lambda i: (i, 0)),
        ],
        out_specs=pl.BlockSpec((BM, NUM_EXPERTS), lambda i: (i, 0)),
        out_shape=jax.ShapeDtypeStruct((m, NUM_EXPERTS), jnp.float32),
        compiler_params=pltpu.CompilerParams(
            dimension_semantics=("parallel",)),
    )(x, w, b, noise)


def _make_sc_router(n_rows):
    rows_per_w = n_rows // _NW
    groups = rows_per_w // _L

    def _sc_router_body(z_hbm, router_hbm, idx_hbm, z_v, out_v, idx_v):
        wid = lax.axis_index("s") * _NC + lax.axis_index("c")
        rbase = wid * rows_per_w
        pltpu.sync_copy(z_hbm.at[pl.ds(rbase, rows_per_w)], z_v)

        zeros16 = jnp.zeros((_L,), jnp.float32)

        def _zero_body(i, c):
            out_v[i // (NUM_EXPERTS // _L),
                  pl.ds((i % (NUM_EXPERTS // _L)) * _L, _L)] = zeros16
            return c

        lax.fori_loop(0, rows_per_w * NUM_EXPERTS // _L, _zero_body, 0,
                      unroll=8)

        lanes = lax.iota(jnp.int32, _L)
        zero_i = jnp.zeros((_L,), jnp.int32)

        min_key = jnp.full((_L,), jnp.int32(-(2 ** 31)), jnp.int32)

        def _group_body(g, c):
            row = g * _L + lanes

            def _scan(cstep, carry):
                keys = list(carry)
                for cc in range(4):
                    col = cstep * 4 + cc
                    v = plsc.load_gather(z_v, [row, zero_i + col])
                    bits = plsc.bitcast(v, jnp.int32)
                    sgn = lax.shift_right_arithmetic(bits, 31)
                    skey = lax.bitwise_xor(bits,
                                           lax.bitwise_and(sgn, 0x7FFFFFFF))
                    key = lax.bitwise_or(lax.bitwise_and(skey, -64),
                                         63 - col)
                    b = [key > keys[j] for j in range(TOP_K)]
                    nkeys = [jnp.where(b[0], key, keys[0])]
                    for j in range(1, TOP_K):
                        nkeys.append(jnp.where(
                            b[j], jnp.where(b[j - 1], keys[j - 1], key),
                            keys[j]))
                    keys = nkeys
                return tuple(keys)

            keys = lax.fori_loop(
                0, NUM_EXPERTS // 4, _scan, tuple([min_key] * TOP_K))
            inds = [63 - lax.bitwise_and(k, 63) for k in keys]
            vals = [plsc.load_gather(z_v, [row, i]) for i in inds]
            for j in range(TOP_K - 1):
                sw = vals[j + 1] > vals[j]
                hi_v = jnp.where(sw, vals[j + 1], vals[j])
                lo_v = jnp.where(sw, vals[j], vals[j + 1])
                hi_i = jnp.where(sw, inds[j + 1], inds[j])
                lo_i = jnp.where(sw, inds[j], inds[j + 1])
                vals[j], vals[j + 1] = hi_v, lo_v
                inds[j], inds[j + 1] = hi_i, lo_i
            mx = vals[0]
            es = [jnp.exp(v - mx) for v in vals]
            s = es[0]
            for e in es[1:]:
                s = s + e
            for k in range(TOP_K):
                plsc.store_scatter(out_v, [row, inds[k]], es[k] / s)
                plsc.store_scatter(idx_v, [row, zero_i + k], inds[k])
            return c

        lax.fori_loop(0, groups, _group_body, 0)

        pltpu.sync_copy(out_v, router_hbm.at[pl.ds(rbase, rows_per_w)])
        pltpu.sync_copy(idx_v, idx_hbm.at[pl.ds(rbase, rows_per_w)])

    return pl.kernel(
        _sc_router_body,
        out_type=[
            jax.ShapeDtypeStruct((n_rows, NUM_EXPERTS), jnp.float32),
            jax.ShapeDtypeStruct((n_rows, TOP_K), jnp.int32),
        ],
        mesh=plsc.VectorSubcoreMesh(core_axis_name="c", subcore_axis_name="s"),
        scratch_types=[
            pltpu.VMEM((rows_per_w, NUM_EXPERTS), jnp.float32),
            pltpu.VMEM((rows_per_w, NUM_EXPERTS), jnp.float32),
            pltpu.VMEM((rows_per_w, TOP_K), jnp.int32),
        ],
        compiler_params=pltpu.CompilerParams(needs_layout_passes=False),
    )


def kernel(x, W_gate, b_gate, W_noise, b_noise, rng_key):
    w = jnp.concatenate([W_gate, W_noise], axis=1)
    b = jnp.concatenate([b_gate, b_noise])[None, :]
    noise = jax.random.normal(rng_key, (N_TOKENS, NUM_EXPERTS),
                              dtype=jnp.float32)
    z = _noisy_logits(x, w, b, noise)
    router, idx = _make_sc_router(N_TOKENS)(z)
    return (router, idx)

# --- scband reference (transcript-rebuilt; emitter-appended) ---
"""Pipeline reference for scband-noisy-top-krouter-37658273251434 (READ-ONLY COPY).

The authoritative reference and input builder live on the scoring server;
editing this copy changes nothing except your own understanding.
"""

import jax, jax.numpy as jnp
import numpy as np

N_TOKENS = 8192
N_EMBD = 4096
NUM_EXPERTS = 64
TOP_K = 8

def setup_inputs(seed: int = 0) -> dict:
    key = jax.random.key(seed)
    k1, k2, k3 = jax.random.split(key, 3)
    x = jax.random.normal(k1, (N_TOKENS, N_EMBD), dtype=jnp.float32)
    W_gate = jax.random.normal(k2, (N_EMBD, NUM_EXPERTS), dtype=jnp.float32) * 0.02
    b_gate = jnp.zeros((NUM_EXPERTS,), dtype=jnp.float32)
    W_noise = jax.random.normal(k3, (N_EMBD, NUM_EXPERTS), dtype=jnp.float32) * 0.02
    b_noise = jnp.zeros((NUM_EXPERTS,), dtype=jnp.float32)
    rng_key = jax.random.key(42)
    return {"x": x, "W_gate": W_gate, "b_gate": b_gate, "W_noise": W_noise, "b_noise": b_noise, "rng_key": rng_key}

def reference(x, W_gate, b_gate, W_noise, b_noise, rng_key):
    # Dense(num_experts) for clean logits
    logits = x @ W_gate + b_gate
    # Dense(num_experts) for noise scale
    noise_logits = x @ W_noise + b_noise
    noise = jax.random.normal(rng_key, logits.shape, dtype=logits.dtype)
    noise = noise * jax.nn.softplus(noise_logits)
    logits = logits + noise
    top_k_logits, top_k_indices = jax.lax.top_k(logits, TOP_K)
    zeros = jnp.full_like(logits, -jnp.inf)
    rows = jnp.arange(logits.shape[0])[:, None]
    sparse_logits = zeros.at[rows, top_k_indices].set(top_k_logits)
    router_output = jax.nn.softmax(sparse_logits, axis=-1)
    return (router_output, top_k_indices)

if __name__ == "__main__":
    import jax
    _d = setup_inputs()
    print(jax.jit(kernel)(*tuple(_d.values())))

</pallas_src>

<mosaic_0001>
#map = affine_map<(d0, d1) -> (0, 0)>
module attributes {stable_mosaic.version = 14 : i64} {
  func.func @_sc_router_body(%arg0: i32, %arg1: i32, %arg2: memref<8192x64xf32, #tpu.memory_space<hbm>>, %arg3: memref<8192x64xf32, #tpu.memory_space<hbm>>, %arg4: memref<8192x8xi32, #tpu.memory_space<hbm>>, %arg5: memref<256x64xf32, #tpu.memory_space<vmem>>, %arg6: memref<256x64xf32, #tpu.memory_space<vmem>>, %arg7: memref<256x8xi32, #tpu.memory_space<vmem>>) attributes {dimension_semantics = [#tpu.dimension_semantics<core_parallel>, #tpu.dimension_semantics<subcore_parallel>], iteration_bounds = array<i64: 2, 16>, scalar_prefetch = 0 : i64, scratch_operands = 3 : i64, tpu.core_type = #tpu.core_type<sc_vector_subcore>, window_params = [{transform_indices = #map}, {transform_indices = #map}, {transform_indices = #map}]} {
    %mul3A = arith.constant 2 : i32
    %mul3A_0 = arith.muli %arg1, %mul3A : i32
    %add3A = arith.addi %mul3A_0, %arg0 : i32
    %mul3A_1 = arith.constant 256 : i32
    %mul3A_2 = arith.muli %add3A, %mul3A_1 : i32
    "tpu.region"() ({
      %run_scoped3A = tpu.sem_alloc : memref<!tpu.dma_semaphore, #tpu.memory_space<semaphore_mem>>
      %dma_start3A = arith.constant 0 : i32
      %dma_start3A_19 = tpu.memref_slice %arg2[%mul3A_2, %dma_start3A] : memref<8192x64xf32, #tpu.memory_space<hbm>> -> memref<256x64xf32, #tpu.memory_space<hbm>>
      %dma_start3A_20 = arith.constant 0 : i32
      %dma_start3A_21 = tpu.memref_slice %arg2[%mul3A_2, %dma_start3A_20] : memref<8192x64xf32, #tpu.memory_space<hbm>> -> memref<256x64xf32, #tpu.memory_space<hbm>>
      tpu.enqueue_dma source(%dma_start3A_21 : memref<256x64xf32, #tpu.memory_space<hbm>>) target(%arg5 : memref<256x64xf32, #tpu.memory_space<vmem>>) target_semaphore(%run_scoped3A : memref<!tpu.dma_semaphore, #tpu.memory_space<semaphore_mem>>)
      %dma_wait3A = arith.constant 0 : i32
      %dma_wait3A_22 = tpu.memref_slice %arg2[%mul3A_2, %dma_wait3A] : memref<8192x64xf32, #tpu.memory_space<hbm>> -> memref<256x64xf32, #tpu.memory_space<hbm>>
      %dma_wait3A_23 = arith.constant 0 : i32
      %dma_wait3A_24 = tpu.memref_slice %arg2[%mul3A_2, %dma_wait3A_23] : memref<8192x64xf32, #tpu.memory_space<hbm>> -> memref<256x64xf32, #tpu.memory_space<hbm>>
      tpu.wait_dma2 semaphore(%run_scoped3A : memref<!tpu.dma_semaphore, #tpu.memory_space<semaphore_mem>>) src(%dma_wait3A_24 : memref<256x64xf32, #tpu.memory_space<hbm>>) dst(%arg5 : memref<256x64xf32, #tpu.memory_space<vmem>>)
      tpu.yield
    }) : () -> ()
    %broadcast_in_dim3A = arith.constant 0.000000e+00 : f32
    %broadcast_in_dim3A_3 = vector.broadcast %broadcast_in_dim3A : f32 to vector<16xf32>
    %scan3A = arith.constant 0 : i32
    %scan3A_4 = arith.constant 0 : i32
    %scan3A_5 = arith.constant 1024 : i32
    %scan3A_6 = arith.addi %scan3A_4, %scan3A_5 : i32
    %scan3A_7 = arith.constant 8 : i32
    scf.for %scan3A_19 = %scan3A_4 to %scan3A_6 step %scan3A_7  : i32 {
      %jit3A = arith.constant 4 : i32
      %div3A = arith.divsi %scan3A_19, %jit3A : i32
      %sign3A = arith.constant 0 : i32
      %sign3A_20 = arith.cmpi sgt, %scan3A_19, %sign3A : i32
      %sign3A_21 = arith.extui %sign3A_20 : i1 to i32
      %sign3A_22 = arith.constant 0 : i32
      %sign3A_23 = arith.cmpi slt, %scan3A_19, %sign3A_22 : i32
      %sign3A_24 = arith.extui %sign3A_23 : i1 to i32
      %sign3A_25 = arith.subi %sign3A_21, %sign3A_24 : i32
      %sign3A_26 = arith.constant 0 : i32
      %sign3A_27 = arith.cmpi sgt, %jit3A, %sign3A_26 : i32
      %sign3A_28 = arith.extui %sign3A_27 : i1 to i32
      %sign3A_29 = arith.constant 0 : i32
      %sign3A_30 = arith.cmpi slt, %jit3A, %sign3A_29 : i32
      %sign3A_31 = arith.extui %sign3A_30 : i1 to i32
      %sign3A_32 = arith.subi %sign3A_28, %sign3A_31 : i32
      %ne3A = arith.cmpi ne, %sign3A_25, %sign3A_32 : i32
      %rem3A = arith.remsi %scan3A_19, %jit3A : i32
      %ne3A_33 = arith.constant 0 : i32
      %ne3A_34 = arith.cmpi ne, %rem3A, %ne3A_33 : i32
      %and3A = arith.andi %ne3A, %ne3A_34 : i1
      %sub3A = arith.constant 1 : i32
      %sub3A_35 = arith.subi %div3A, %sub3A : i32
      %select_n3A = arith.select %and3A, %sub3A_35, %div3A : i32
      %jit3A_36 = arith.constant 4 : i32
      %eq3A = arith.constant 0 : i32
      %eq3A_37 = arith.cmpi eq, %jit3A_36, %eq3A : i32
      %jit3A_38 = arith.constant 1 : i32
      %select_n3A_39 = arith.select %eq3A_37, %jit3A_38, %jit3A_36 : i32
      %rem3A_40 = arith.remsi %scan3A_19, %select_n3A_39 : i32
      %ne3A_41 = arith.constant 0 : i32
      %ne3A_42 = arith.cmpi ne, %rem3A_40, %ne3A_41 : i32
      %lt3A = arith.constant 0 : i32
      %lt3A_43 = arith.cmpi slt, %rem3A_40, %lt3A : i32
      %lt3A_44 = arith.constant 0 : i32
      %lt3A_45 = arith.cmpi slt, %select_n3A_39, %lt3A_44 : i32
      %ne3A_46 = arith.xori %lt3A_43, %lt3A_45 : i1
      %and3A_47 = arith.andi %ne3A_46, %ne3A_42 : i1
      %add3A_48 = arith.addi %rem3A_40, %select_n3A_39 : i32
      %select_n3A_49 = arith.select %and3A_47, %add3A_48, %rem3A_40 : i32
      %mul3A_50 = arith.constant 16 : i32
      %mul3A_51 = arith.muli %select_n3A_49, %mul3A_50 : i32
      %swap3A = arith.index_cast %select_n3A : i32 to index
      %swap3A_52 = arith.index_cast %mul3A_51 : i32 to index
      %swap3A_53 = tpu.vector_load %arg6[%swap3A, %swap3A_52] {strides = array<i32>} : memref<256x64xf32, #tpu.memory_space<vmem>>, vector<16xf32>,
      tpu.vector_store %arg6[%swap3A, %swap3A_52], %broadcast_in_dim3A_3 {strides = array<i32>} : memref<256x64xf32, #tpu.memory_space<vmem>>, vector<16xf32>,
      %scan3A_54 = arith.constant 1 : i32
      %scan3A_55 = arith.addi %scan3A_19, %scan3A_54 : i32
      %jit3A_56 = arith.constant 4 : i32
      %div3A_57 = arith.divsi %scan3A_55, %jit3A_56 : i32
      %sign3A_58 = arith.constant 0 : i32
      %sign3A_59 = arith.cmpi sgt, %scan3A_55, %sign3A_58 : i32
      %sign3A_60 = arith.extui %sign3A_59 : i1 to i32
      %sign3A_61 = arith.constant 0 : i32
      %sign3A_62 = arith.cmpi slt, %scan3A_55, %sign3A_61 : i32
      %sign3A_63 = arith.extui %sign3A_62 : i1 to i32
      %sign3A_64 = arith.subi %sign3A_60, %sign3A_63 : i32
      %sign3A_65 = arith.constant 0 : i32
      %sign3A_66 = arith.cmpi sgt, %jit3A_56, %sign3A_65 : i32
      %sign3A_67 = arith.extui %sign3A_66 : i1 to i32
      %sign3A_68 = arith.constant 0 : i32
      %sign3A_69 = arith.cmpi slt, %jit3A_56, %sign3A_68 : i32
      %sign3A_70 = arith.extui %sign3A_69 : i1 to i32
      %sign3A_71 = arith.subi %sign3A_67, %sign3A_70 : i32
      %ne3A_72 = arith.cmpi ne, %sign3A_64, %sign3A_71 : i32
      %rem3A_73 = arith.remsi %scan3A_55, %jit3A_56 : i32
      %ne3A_74 = arith.constant 0 : i32
      %ne3A_75 = arith.cmpi ne, %rem3A_73, %ne3A_74 : i32
      %and3A_76 = arith.andi %ne3A_72, %ne3A_75 : i1
      %sub3A_77 = arith.constant 1 : i32
      %sub3A_78 = arith.subi %div3A_57, %sub3A_77 : i32
      %select_n3A_79 = arith.select %and3A_76, %sub3A_78, %div3A_57 : i32
      %jit3A_80 = arith.constant 4 : i32
      %eq3A_81 = arith.constant 0 : i32
      %eq3A_82 = arith.cmpi eq, %jit3A_80, %eq3A_81 : i32
      %jit3A_83 = arith.constant 1 : i32
      %select_n3A_84 = arith.select %eq3A_82, %jit3A_83, %jit3A_80 : i32
      %rem3A_85 = arith.remsi %scan3A_55, %select_n3A_84 : i32
      %ne3A_86 = arith.constant 0 : i32
      %ne3A_87 = arith.cmpi ne, %rem3A_85, %ne3A_86 : i32
      %lt3A_88 = arith.constant 0 : i32
      %lt3A_89 = arith.cmpi slt, %rem3A_85, %lt3A_88 : i32
      %lt3A_90 = arith.constant 0 : i32
      %lt3A_91 = arith.cmpi slt, %select_n3A_84, %lt3A_90 : i32
      %ne3A_92 = arith.xori %lt3A_89, %lt3A_91 : i1
      %and3A_93 = arith.andi %ne3A_92, %ne3A_87 : i1
      %add3A_94 = arith.addi %rem3A_85, %select_n3A_84 : i32
      %select_n3A_95 = arith.select %and3A_93, %add3A_94, %rem3A_85 : i32
      %mul3A_96 = arith.constant 16 : i32
      %mul3A_97 = arith.muli %select_n3A_95, %mul3A_96 : i32
      %swap3A_98 = arith.index_cast %select_n3A_79 : i32 to index
      %swap3A_99 = arith.index_cast %mul3A_97 : i32 to index
      %swap3A_100 = tpu.vector_load %arg6[%swap3A_98, %swap3A_99] {strides = array<i32>} : memref<256x64xf32, #tpu.memory_space<vmem>>, vector<16xf32>,
      tpu.vector_store %arg6[%swap3A_98, %swap3A_99], %broadcast_in_dim3A_3 {strides = array<i32>} : memref<256x64xf32, #tpu.memory_space<vmem>>, vector<16xf32>,
      %scan3A_101 = arith.constant 2 : i32
      %scan3A_102 = arith.addi %scan3A_19, %scan3A_101 : i32
      %jit3A_103 = arith.constant 4 : i32
      %div3A_104 = arith.divsi %scan3A_102, %jit3A_103 : i32
      %sign3A_105 = arith.constant 0 : i32
      %sign3A_106 = arith.cmpi sgt, %scan3A_102, %sign3A_105 : i32
      %sign3A_107 = arith.extui %sign3A_106 : i1 to i32
      %sign3A_108 = arith.constant 0 : i32
      %sign3A_109 = arith.cmpi slt, %scan3A_102, %sign3A_108 : i32
      %sign3A_110 = arith.extui %sign3A_109 : i1 to i32
      %sign3A_111 = arith.subi %sign3A_107, %sign3A_110 : i32
      %sign3A_112 = arith.constant 0 : i32
      %sign3A_113 = arith.cmpi sgt, %jit3A_103, %sign3A_112 : i32
      %sign3A_114 = arith.extui %sign3A_113 : i1 to i32
      %sign3A_115 = arith.constant 0 : i32
      %sign3A_116 = arith.cmpi slt, %jit3A_103, %sign3A_115 : i32
      %sign3A_117 = arith.extui %sign3A_116 : i1 to i32
      %sign3A_118 = arith.subi %sign3A_114, %sign3A_117 : i32
      %ne3A_119 = arith.cmpi ne, %sign3A_111, %sign3A_118 : i32
      %rem3A_120 = arith.remsi %scan3A_102, %jit3A_103 : i32
      %ne3A_121 = arith.constant 0 : i32
      %ne3A_122 = arith.cmpi ne, %rem3A_120, %ne3A_121 : i32
      %and3A_123 = arith.andi %ne3A_119, %ne3A_122 : i1
      %sub3A_124 = arith.constant 1 : i32
      %sub3A_125 = arith.subi %div3A_104, %sub3A_124 : i32
      %select_n3A_126 = arith.select %and3A_123, %sub3A_125, %div3A_104 : i32
      %jit3A_127 = arith.constant 4 : i32
      %eq3A_128 = arith.constant 0 : i32
      %eq3A_129 = arith.cmpi eq, %jit3A_127, %eq3A_128 : i32
      %jit3A_130 = arith.constant 1 : i32
      %select_n3A_131 = arith.select %eq3A_129, %jit3A_130, %jit3A_127 : i32
      %rem3A_132 = arith.remsi %scan3A_102, %select_n3A_131 : i32
      %ne3A_133 = arith.constant 0 : i32
      %ne3A_134 = arith.cmpi ne, %rem3A_132, %ne3A_133 : i32
      %lt3A_135 = arith.constant 0 : i32
      %lt3A_136 = arith.cmpi slt, %rem3A_132, %lt3A_135 : i32
      %lt3A_137 = arith.constant 0 : i32
      %lt3A_138 = arith.cmpi slt, %select_n3A_131, %lt3A_137 : i32
      %ne3A_139 = arith.xori %lt3A_136, %lt3A_138 : i1
      %and3A_140 = arith.andi %ne3A_139, %ne3A_134 : i1
      %add3A_141 = arith.addi %rem3A_132, %select_n3A_131 : i32
      %select_n3A_142 = arith.select %and3A_140, %add3A_141, %rem3A_132 : i32
      %mul3A_143 = arith.constant 16 : i32
      %mul3A_144 = arith.muli %select_n3A_142, %mul3A_143 : i32
      %swap3A_145 = arith.index_cast %select_n3A_126 : i32 to index
      %swap3A_146 = arith.index_cast %mul3A_144 : i32 to index
      %swap3A_147 = tpu.vector_load %arg6[%swap3A_145, %swap3A_146] {strides = array<i32>} : memref<256x64xf32, #tpu.memory_space<vmem>>, vector<16xf32>,
      tpu.vector_store %arg6[%swap3A_145, %swap3A_146], %broadcast_in_dim3A_3 {strides = array<i32>} : memref<256x64xf32, #tpu.memory_space<vmem>>, vector<16xf32>,
      %scan3A_148 = arith.constant 3 : i32
      %scan3A_149 = arith.addi %scan3A_19, %scan3A_148 : i32
      %jit3A_150 = arith.constant 4 : i32
      %div3A_151 = arith.divsi %scan3A_149, %jit3A_150 : i32
      %sign3A_152 = arith.constant 0 : i32
      %sign3A_153 = arith.cmpi sgt, %scan3A_149, %sign3A_152 : i32
      %sign3A_154 = arith.extui %sign3A_153 : i1 to i32
      %sign3A_155 = arith.constant 0 : i32
      %sign3A_156 = arith.cmpi slt, %scan3A_149, %sign3A_155 : i32
      %sign3A_157 = arith.extui %sign3A_156 : i1 to i32
      %sign3A_158 = arith.subi %sign3A_154, %sign3A_157 : i32
      %sign3A_159 = arith.constant 0 : i32
      %sign3A_160 = arith.cmpi sgt, %jit3A_150, %sign3A_159 : i32
      %sign3A_161 = arith.extui %sign3A_160 : i1 to i32
      %sign3A_162 = arith.constant 0 : i32
      %sign3A_163 = arith.cmpi slt, %jit3A_150, %sign3A_162 : i32
      %sign3A_164 = arith.extui %sign3A_163 : i1 to i32
      %sign3A_165 = arith.subi %sign3A_161, %sign3A_164 : i32
      %ne3A_166 = arith.cmpi ne, %sign3A_158, %sign3A_165 : i32
      %rem3A_167 = arith.remsi %scan3A_149, %jit3A_150 : i32
      %ne3A_168 = arith.constant 0 : i32
      %ne3A_169 = arith.cmpi ne, %rem3A_167, %ne3A_168 : i32
      %and3A_170 = arith.andi %ne3A_166, %ne3A_169 : i1
      %sub3A_171 = arith.constant 1 : i32
      %sub3A_172 = arith.subi %div3A_151, %sub3A_171 : i32
      %select_n3A_173 = arith.select %and3A_170, %sub3A_172, %div3A_151 : i32
      %jit3A_174 = arith.constant 4 : i32
      %eq3A_175 = arith.constant 0 : i32
      %eq3A_176 = arith.cmpi eq, %jit3A_174, %eq3A_175 : i32
      %jit3A_177 = arith.constant 1 : i32
      %select_n3A_178 = arith.select %eq3A_176, %jit3A_177, %jit3A_174 : i32
      %rem3A_179 = arith.remsi %scan3A_149, %select_n3A_178 : i32
      %ne3A_180 = arith.constant 0 : i32
      %ne3A_181 = arith.cmpi ne, %rem3A_179, %ne3A_180 : i32
      %lt3A_182 = arith.constant 0 : i32
      %lt3A_183 = arith.cmpi slt, %rem3A_179, %lt3A_182 : i32
      %lt3A_184 = arith.constant 0 : i32
      %lt3A_185 = arith.cmpi slt, %select_n3A_178, %lt3A_184 : i32
      %ne3A_186 = arith.xori %lt3A_183, %lt3A_185 : i1
      %and3A_187 = arith.andi %ne3A_186, %ne3A_181 : i1
      %add3A_188 = arith.addi %rem3A_179, %select_n3A_178 : i32
      %select_n3A_189 = arith.select %and3A_187, %add3A_188, %rem3A_179 : i32
      %mul3A_190 = arith.constant 16 : i32
      %mul3A_191 = arith.muli %select_n3A_189, %mul3A_190 : i32
      %swap3A_192 = arith.index_cast %select_n3A_173 : i32 to index
      %swap3A_193 = arith.index_cast %mul3A_191 : i32 to index
      %swap3A_194 = tpu.vector_load %arg6[%swap3A_192, %swap3A_193] {strides = array<i32>} : memref<256x64xf32, #tpu.memory_space<vmem>>, vector<16xf32>,
      tpu.vector_store %arg6[%swap3A_192, %swap3A_193], %broadcast_in_dim3A_3 {strides = array<i32>} : memref<256x64xf32, #tpu.memory_space<vmem>>, vector<16xf32>,
      %scan3A_195 = arith.constant 4 : i32
      %scan3A_196 = arith.addi %scan3A_19, %scan3A_195 : i32
      %jit3A_197 = arith.constant 4 : i32
      %div3A_198 = arith.divsi %scan3A_196, %jit3A_197 : i32
      %sign3A_199 = arith.constant 0 : i32
      %sign3A_200 = arith.cmpi sgt, %scan3A_196, %sign3A_199 : i32
      %sign3A_201 = arith.extui %sign3A_200 : i1 to i32
      %sign3A_202 = arith.constant 0 : i32
      %sign3A_203 = arith.cmpi slt, %scan3A_196, %sign3A_202 : i32
      %sign3A_204 = arith.extui %sign3A_203 : i1 to i32
      %sign3A_205 = arith.subi %sign3A_201, %sign3A_204 : i32
      %sign3A_206 = arith.constant 0 : i32
      %sign3A_207 = arith.cmpi sgt, %jit3A_197, %sign3A_206 : i32
      %sign3A_208 = arith.extui %sign3A_207 : i1 to i32
      %sign3A_209 = arith.constant 0 : i32
      %sign3A_210 = arith.cmpi slt, %jit3A_197, %sign3A_209 : i32
      %sign3A_211 = arith.extui %sign3A_210 : i1 to i32
      %sign3A_212 = arith.subi %sign3A_208, %sign3A_211 : i32
      %ne3A_213 = arith.cmpi ne, %sign3A_205, %sign3A_212 : i32
      %rem3A_214 = arith.remsi %scan3A_196, %jit3A_197 : i32
      %ne3A_215 = arith.constant 0 : i32
      %ne3A_216 = arith.cmpi ne, %rem3A_214, %ne3A_215 : i32
      %and3A_217 = arith.andi %ne3A_213, %ne3A_216 : i1
      %sub3A_218 = arith.constant 1 : i32
      %sub3A_219 = arith.subi %div3A_198, %sub3A_218 : i32
      %select_n3A_220 = arith.select %and3A_217, %sub3A_219, %div3A_198 : i32
      %jit3A_221 = arith.constant 4 : i32
      %eq3A_222 = arith.constant 0 : i32
      %eq3A_223 = arith.cmpi eq, %jit3A_221, %eq3A_222 : i32
      %jit3A_224 = arith.constant 1 : i32
      %select_n3A_225 = arith.select %eq3A_223, %jit3A_224, %jit3A_221 : i32
      %rem3A_226 = arith.remsi %scan3A_196, %select_n3A_225 : i32
      %ne3A_227 = arith.constant 0 : i32
      %ne3A_228 = arith.cmpi ne, %rem3A_226, %ne3A_227 : i32
      %lt3A_229 = arith.constant 0 : i32
      %lt3A_230 = arith.cmpi slt, %rem3A_226, %lt3A_229 : i32
      %lt3A_231 = arith.constant 0 : i32
      %lt3A_232 = arith.cmpi slt, %select_n3A_225, %lt3A_231 : i32
      %ne3A_233 = arith.xori %lt3A_230, %lt3A_232 : i1
      %and3A_234 = arith.andi %ne3A_233, %ne3A_228 : i1
      %add3A_235 = arith.addi %rem3A_226, %select_n3A_225 : i32
      %select_n3A_236 = arith.select %and3A_234, %add3A_235, %rem3A_226 : i32
      %mul3A_237 = arith.constant 16 : i32
      %mul3A_238 = arith.muli %select_n3A_236, %mul3A_237 : i32
      %swap3A_239 = arith.index_cast %select_n3A_220 : i32 to index
      %swap3A_240 = arith.index_cast %mul3A_238 : i32 to index
      %swap3A_241 = tpu.vector_load %arg6[%swap3A_239, %swap3A_240] {strides = array<i32>} : memref<256x64xf32, #tpu.memory_space<vmem>>, vector<16xf32>,
      tpu.vector_store %arg6[%swap3A_239, %swap3A_240], %broadcast_in_dim3A_3 {strides = array<i32>} : memref<256x64xf32, #tpu.memory_space<vmem>>, vector<16xf32>,
      %scan3A_242 = arith.constant 5 : i32
      %scan3A_243 = arith.addi %scan3A_19, %scan3A_242 : i32
      %jit3A_244 = arith.constant 4 : i32
      %div3A_245 = arith.divsi %scan3A_243, %jit3A_244 : i32
      %sign3A_246 = arith.constant 0 : i32
      %sign3A_247 = arith.cmpi sgt, %scan3A_243, %sign3A_246 : i32
      %sign3A_248 = arith.extui %sign3A_247 : i1 to i32
      %sign3A_249 = arith.constant 0 : i32
      %sign3A_250 = arith.cmpi slt, %scan3A_243, %sign3A_249 : i32
      %sign3A_251 = arith.extui %sign3A_250 : i1 to i32
      %sign3A_252 = arith.subi %sign3A_248, %sign3A_251 : i32
      %sign3A_253 = arith.constant 0 : i32
      %sign3A_254 = arith.cmpi sgt, %jit3A_244, %sign3A_253 : i32
      %sign3A_255 = arith.extui %sign3A_254 : i1 to i32
      %sign3A_256 = arith.constant 0 : i32
      %sign3A_257 = arith.cmpi slt, %jit3A_244, %sign3A_256 : i32
      %sign3A_258 = arith.extui %sign3A_257 : i1 to i32
      %sign3A_259 = arith.subi %sign3A_255, %sign3A_258 : i32
      %ne3A_260 = arith.cmpi ne, %sign3A_252, %sign3A_259 : i32
      %rem3A_261 = arith.remsi %scan3A_243, %jit3A_244 : i32
      %ne3A_262 = arith.constant 0 : i32
      %ne3A_263 = arith.cmpi ne, %rem3A_261, %ne3A_262 : i32
      %and3A_264 = arith.andi %ne3A_260, %ne3A_263 : i1
      %sub3A_265 = arith.constant 1 : i32
      %sub3A_266 = arith.subi %div3A_245, %sub3A_265 : i32
      %select_n3A_267 = arith.select %and3A_264, %sub3A_266, %div3A_245 : i32
      %jit3A_268 = arith.constant 4 : i32
      %eq3A_269 = arith.constant 0 : i32
      %eq3A_270 = arith.cmpi eq, %jit3A_268, %eq3A_269 : i32
      %jit3A_271 = arith.constant 1 : i32
      %select_n3A_272 = arith.select %eq3A_270, %jit3A_271, %jit3A_268 : i32
      %rem3A_273 = arith.remsi %scan3A_243, %select_n3A_272 : i32
      %ne3A_274 = arith.constant 0 : i32
      %ne3A_275 = arith.cmpi ne, %rem3A_273, %ne3A_274 : i32
      %lt3A_276 = arith.constant 0 : i32
      %lt3A_277 = arith.cmpi slt, %rem3A_273, %lt3A_276 : i32
      %lt3A_278 = arith.constant 0 : i32
      %lt3A_279 = arith.cmpi slt, %select_n3A_272, %lt3A_278 : i32
      %ne3A_280 = arith.xori %lt3A_277, %lt3A_279 : i1
      %and3A_281 = arith.andi %ne3A_280, %ne3A_275 : i1
      %add3A_282 = arith.addi %rem3A_273, %select_n3A_272 : i32
      %select_n3A_283 = arith.select %and3A_281, %add3A_282, %rem3A_273 : i32
      %mul3A_284 = arith.constant 16 : i32
      %mul3A_285 = arith.muli %select_n3A_283, %mul3A_284 : i32
      %swap3A_286 = arith.index_cast %select_n3A_267 : i32 to index
      %swap3A_287 = arith.index_cast %mul3A_285 : i32 to index
      %swap3A_288 = tpu.vector_load %arg6[%swap3A_286, %swap3A_287] {strides = array<i32>} : memref<256x64xf32, #tpu.memory_space<vmem>>, vector<16xf32>,
      tpu.vector_store %arg6[%swap3A_286, %swap3A_287], %broadcast_in_dim3A_3 {strides = array<i32>} : memref<256x64xf32, #tpu.memory_space<vmem>>, vector<16xf32>,
      %scan3A_289 = arith.constant 6 : i32
      %scan3A_290 = arith.addi %scan3A_19, %scan3A_289 : i32
      %jit3A_291 = arith.constant 4 : i32
      %div3A_292 = arith.divsi %scan3A_290, %jit3A_291 : i32
      %sign3A_293 = arith.constant 0 : i32
      %sign3A_294 = arith.cmpi sgt, %scan3A_290, %sign3A_293 : i32
      %sign3A_295 = arith.extui %sign3A_294 : i1 to i32
      %sign3A_296 = arith.constant 0 : i32
      %sign3A_297 = arith.cmpi slt, %scan3A_290, %sign3A_296 : i32
      %sign3A_298 = arith.extui %sign3A_297 : i1 to i32
      %sign3A_299 = arith.subi %sign3A_295, %sign3A_298 : i32
      %sign3A_300 = arith.constant 0 : i32
      %sign3A_301 = arith.cmpi sgt, %jit3A_291, %sign3A_300 : i32
      %sign3A_302 = arith.extui %sign3A_301 : i1 to i32
      %sign3A_303 = arith.constant 0 : i32
      %sign3A_304 = arith.cmpi slt, %jit3A_291, %sign3A_303 : i32
      %sign3A_305 = arith.extui %sign3A_304 : i1 to i32
      %sign3A_306 = arith.subi %sign3A_302, %sign3A_305 : i32
      %ne3A_307 = arith.cmpi ne, %sign3A_299, %sign3A_306 : i32
      %rem3A_308 = arith.remsi %scan3A_290, %jit3A_291 : i32
      %ne3A_309 = arith.constant 0 : i32
      %ne3A_310 = arith.cmpi ne, %rem3A_308, %ne3A_309 : i32
      %and3A_311 = arith.andi %ne3A_307, %ne3A_310 : i1
      %sub3A_312 = arith.constant 1 : i32
      %sub3A_313 = arith.subi %div3A_292, %sub3A_312 : i32
      %select_n3A_314 = arith.select %and3A_311, %sub3A_313, %div3A_292 : i32
      %jit3A_315 = arith.constant 4 : i32
      %eq3A_316 = arith.constant 0 : i32
      %eq3A_317 = arith.cmpi eq, %jit3A_315, %eq3A_316 : i32
      %jit3A_318 = arith.constant 1 : i32
      %select_n3A_319 = arith.select %eq3A_317, %jit3A_318, %jit3A_315 : i32
      %rem3A_320 = arith.remsi %scan3A_290, %select_n3A_319 : i32
      %ne3A_321 = arith.constant 0 : i32
      %ne3A_322 = arith.cmpi ne, %rem3A_320, %ne3A_321 : i32
      %lt3A_323 = arith.constant 0 : i32
      %lt3A_324 = arith.cmpi slt, %rem3A_320, %lt3A_323 : i32
      %lt3A_325 = arith.constant 0 : i32
      %lt3A_326 = arith.cmpi slt, %select_n3A_319, %lt3A_325 : i32
      %ne3A_327 = arith.xori %lt3A_324, %lt3A_326 : i1
      %and3A_328 = arith.andi %ne3A_327, %ne3A_322 : i1
      %add3A_329 = arith.addi %rem3A_320, %select_n3A_319 : i32
      %select_n3A_330 = arith.select %and3A_328, %add3A_329, %rem3A_320 : i32
      %mul3A_331 = arith.constant 16 : i32
      %mul3A_332 = arith.muli %select_n3A_330, %mul3A_331 : i32
      %swap3A_333 = arith.index_cast %select_n3A_314 : i32 to index
      %swap3A_334 = arith.index_cast %mul3A_332 : i32 to index
      %swap3A_335 = tpu.vector_load %arg6[%swap3A_333, %swap3A_334] {strides = array<i32>} : memref<256x64xf32, #tpu.memory_space<vmem>>, vector<16xf32>,
      tpu.vector_store %arg6[%swap3A_333, %swap3A_334], %broadcast_in_dim3A_3 {strides = array<i32>} : memref<256x64xf32, #tpu.memory_space<vmem>>, vector<16xf32>,
      %scan3A_336 = arith.constant 7 : i32
      %scan3A_337 = arith.addi %scan3A_19, %scan3A_336 : i32
      %jit3A_338 = arith.constant 4 : i32
      %div3A_339 = arith.divsi %scan3A_337, %jit3A_338 : i32
      %sign3A_340 = arith.constant 0 : i32
      %sign3A_341 = arith.cmpi sgt, %scan3A_337, %sign3A_340 : i32
      %sign3A_342 = arith.extui %sign3A_341 : i1 to i32
      %sign3A_343 = arith.constant 0 : i32
      %sign3A_344 = arith.cmpi slt, %scan3A_337, %sign3A_343 : i32
      %sign3A_345 = arith.extui %sign3A_344 : i1 to i32
      %sign3A_346 = arith.subi %sign3A_342, %sign3A_345 : i32
      %sign3A_347 = arith.constant 0 : i32
      %sign3A_348 = arith.cmpi sgt, %jit3A_338, %sign3A_347 : i32
      %sign3A_349 = arith.extui %sign3A_348 : i1 to i32
      %sign3A_350 = arith.constant 0 : i32
      %sign3A_351 = arith.cmpi slt, %jit3A_338, %sign3A_350 : i32
      %sign3A_352 = arith.extui %sign3A_351 : i1 to i32
      %sign3A_353 = arith.subi %sign3A_349, %sign3A_352 : i32
      %ne3A_354 = arith.cmpi ne, %sign3A_346, %sign3A_353 : i32
      %rem3A_355 = arith.remsi %scan3A_337, %jit3A_338 : i32
      %ne3A_356 = arith.constant 0 : i32
      %ne3A_357 = arith.cmpi ne, %rem3A_355, %ne3A_356 : i32
      %and3A_358 = arith.andi %ne3A_354, %ne3A_357 : i1
      %sub3A_359 = arith.constant 1 : i32
      %sub3A_360 = arith.subi %div3A_339, %sub3A_359 : i32
      %select_n3A_361 = arith.select %and3A_358, %sub3A_360, %div3A_339 : i32
      %jit3A_362 = arith.constant 4 : i32
      %eq3A_363 = arith.constant 0 : i32
      %eq3A_364 = arith.cmpi eq, %jit3A_362, %eq3A_363 : i32
      %jit3A_365 = arith.constant 1 : i32
      %select_n3A_366 = arith.select %eq3A_364, %jit3A_365, %jit3A_362 : i32
      %rem3A_367 = arith.remsi %scan3A_337, %select_n3A_366 : i32
      %ne3A_368 = arith.constant 0 : i32
      %ne3A_369 = arith.cmpi ne, %rem3A_367, %ne3A_368 : i32
      %lt3A_370 = arith.constant 0 : i32
      %lt3A_371 = arith.cmpi slt, %rem3A_367, %lt3A_370 : i32
      %lt3A_372 = arith.constant 0 : i32
      %lt3A_373 = arith.cmpi slt, %select_n3A_366, %lt3A_372 : i32
      %ne3A_374 = arith.xori %lt3A_371, %lt3A_373 : i1
      %and3A_375 = arith.andi %ne3A_374, %ne3A_369 : i1
      %add3A_376 = arith.addi %rem3A_367, %select_n3A_366 : i32
      %select_n3A_377 = arith.select %and3A_375, %add3A_376, %rem3A_367 : i32
      %mul3A_378 = arith.constant 16 : i32
      %mul3A_379 = arith.muli %select_n3A_377, %mul3A_378 : i32
      %swap3A_380 = arith.index_cast %select_n3A_361 : i32 to index
      %swap3A_381 = arith.index_cast %mul3A_379 : i32 to index
      %swap3A_382 = tpu.vector_load %arg6[%swap3A_380, %swap3A_381] {strides = array<i32>} : memref<256x64xf32, #tpu.memory_space<vmem>>, vector<16xf32>,
      tpu.vector_store %arg6[%swap3A_380, %swap3A_381], %broadcast_in_dim3A_3 {strides = array<i32>} : memref<256x64xf32, #tpu.memory_space<vmem>>, vector<16xf32>,
    }
    %scan3A_8 = arith.constant 1024 : i32
    %iota3A = tpu.iota {dimensions = array<i32: 0>} : vector<16xi32>
    %broadcast_in_dim3A_9 = arith.constant 0 : i32
    %broadcast_in_dim3A_10 = vector.broadcast %broadcast_in_dim3A_9 : i32 to vector<16xi32>
    %broadcast_in_dim3A_11 = arith.constant -2147483648 : i32
    %broadcast_in_dim3A_12 = vector.broadcast %broadcast_in_dim3A_11 : i32 to vector<16xi32>
    %scan3A_13 = arith.constant 0 : i32
    %scan3A_14 = arith.constant 0 : i32
    %scan3A_15 = arith.constant 16 : i32
    %scan3A_16 = arith.addi %scan3A_14, %scan3A_15 : i32
    %scan3A_17 = arith.constant 1 : i32
    scf.for %scan3A_19 = %scan3A_14 to %scan3A_16 step %scan3A_17  : i32 {
      %mul3A_20 = arith.constant 16 : i32
      %mul3A_21 = arith.muli %scan3A_19, %mul3A_20 : i32
      %add3A_22 = vector.broadcast %mul3A_21 : i32 to vector<16xi32>
      %add3A_23 = arith.addi %add3A_22, %iota3A : vector<16xi32>
      %scan3A_24 = arith.constant 0 : i32
      %scan3A_25 = arith.constant 16 : i32
      %scan3A_26 = arith.addi %scan3A_24, %scan3A_25 : i32
      %scan3A_27 = arith.constant 1 : i32
      %scan3A_28:8 = scf.for %scan3A_169 = %scan3A_24 to %scan3A_26 step %scan3A_27 iter_args(%scan3A_170 = %broadcast_in_dim3A_12, %scan3A_171 = %broadcast_in_dim3A_12, %scan3A_172 = %broadcast_in_dim3A_12, %scan3A_173 = %broadcast_in_dim3A_12, %scan3A_174 = %broadcast_in_dim3A_12, %scan3A_175 = %broadcast_in_dim3A_12, %scan3A_176 = %broadcast_in_dim3A_12, %scan3A_177 = %broadcast_in_dim3A_12) -> (vector<16xi32>, vector<16xi32>, vector<16xi32>, vector<16xi32>, vector<16xi32>, vector<16xi32>, vector<16xi32>, vector<16xi32>)  : i32 {
        %mul3A_178 = arith.constant 4 : i32
        %mul3A_179 = arith.muli %scan3A_169, %mul3A_178 : i32
        %add3A_180 = arith.constant 0 : i32
        %add3A_181 = arith.addi %mul3A_179, %add3A_180 : i32
        %add3A_182 = vector.broadcast %add3A_181 : i32 to vector<16xi32>
        %add3A_183 = arith.addi %broadcast_in_dim3A_10, %add3A_182 : vector<16xi32>
        %gather3A_184 = tpu.vector_load_idx %arg5[%add3A_23, %add3A_183] : memref<256x64xf32, #tpu.memory_space<vmem>>[vector<16xi32>, vector<16xi32>], vector<16xf32>,
        %bitcast3A = vector.bitcast %gather3A_184 : vector<16xf32> to vector<16xi32>
        %shift_right_arithmetic3A = arith.constant 31 : i32
        %shift_right_arithmetic3A_185 = vector.broadcast %shift_right_arithmetic3A : i32 to vector<16xi32>
        %shift_right_arithmetic3A_186 = arith.shrsi %bitcast3A, %shift_right_arithmetic3A_185 : vector<16xi32>
        %and3A_187 = arith.constant 2147483647 : i32
        %and3A_188 = vector.broadcast %and3A_187 : i32 to vector<16xi32>
        %and3A_189 = arith.andi %shift_right_arithmetic3A_186, %and3A_188 : vector<16xi32>
        %xor3A = arith.xori %bitcast3A, %and3A_189 : vector<16xi32>
        %and3A_190 = arith.constant -64 : i32
        %and3A_191 = vector.broadcast %and3A_190 : i32 to vector<16xi32>
        %and3A_192 = arith.andi %xor3A, %and3A_191 : vector<16xi32>
        %sub3A_193 = arith.constant 63 : i32
        %sub3A_194 = arith.subi %sub3A_193, %add3A_181 : i32
        %or3A = vector.broadcast %sub3A_194 : i32 to vector<16xi32>
        %or3A_195 = arith.ori %and3A_192, %or3A : vector<16xi32>
        %gt3A_196 = arith.cmpi sgt, %or3A_195, %scan3A_170 : vector<16xi32>
        %gt3A_197 = arith.cmpi sgt, %or3A_195, %scan3A_171 : vector<16xi32>
        %gt3A_198 = arith.cmpi sgt, %or3A_195, %scan3A_172 : vector<16xi32>
        %gt3A_199 = arith.cmpi sgt, %or3A_195, %scan3A_173 : vector<16xi32>
        %gt3A_200 = arith.cmpi sgt, %or3A_195, %scan3A_174 : vector<16xi32>
        %gt3A_201 = arith.cmpi sgt, %or3A_195, %scan3A_175 : vector<16xi32>
        %gt3A_202 = arith.cmpi sgt, %or3A_195, %scan3A_176 : vector<16xi32>
        %gt3A_203 = arith.cmpi sgt, %or3A_195, %scan3A_177 : vector<16xi32>
        %select_n3A_204 = arith.select %gt3A_196, %or3A_195, %scan3A_170 : vector<16xi1>, vector<16xi32>
        %select_n3A_205 = arith.select %gt3A_196, %scan3A_170, %or3A_195 : vector<16xi1>, vector<16xi32>
        %select_n3A_206 = arith.select %gt3A_197, %select_n3A_205, %scan3A_171 : vector<16xi1>, vector<16xi32>
        %select_n3A_207 = arith.select %gt3A_197, %scan3A_171, %or3A_195 : vector<16xi1>, vector<16xi32>
        %select_n3A_208 = arith.select %gt3A_198, %select_n3A_207, %scan3A_172 : vector<16xi1>, vector<16xi32>
        %select_n3A_209 = arith.select %gt3A_198, %scan3A_172, %or3A_195 : vector<16xi1>, vector<16xi32>
        %select_n3A_210 = arith.select %gt3A_199, %select_n3A_209, %scan3A_173 : vector<16xi1>, vector<16xi32>
        %select_n3A_211 = arith.select %gt3A_199, %scan3A_173, %or3A_195 : vector<16xi1>, vector<16xi32>
        %select_n3A_212 = arith.select %gt3A_200, %select_n3A_211, %scan3A_174 : vector<16xi1>, vector<16xi32>
        %select_n3A_213 = arith.select %gt3A_200, %scan3A_174, %or3A_195 : vector<16xi1>, vector<16xi32>
        %select_n3A_214 = arith.select %gt3A_201, %select_n3A_213, %scan3A_175 : vector<16xi1>, vector<16xi32>
        %select_n3A_215 = arith.select %gt3A_201, %scan3A_175, %or3A_195 : vector<16xi1>, vector<16xi32>
        %select_n3A_216 = arith.select %gt3A_202, %select_n3A_215, %scan3A_176 : vector<16xi1>, vector<16xi32>
        %select_n3A_217 = arith.select %gt3A_202, %scan3A_176, %or3A_195 : vector<16xi1>, vector<16xi32>
        %select_n3A_218 = arith.select %gt3A_203, %select_n3A_217, %scan3A_177 : vector<16xi1>, vector<16xi32>
        %mul3A_219 = arith.constant 4 : i32
        %mul3A_220 = arith.muli %scan3A_169, %mul3A_219 : i32
        %add3A_221 = arith.constant 1 : i32
        %add3A_222 = arith.addi %mul3A_220, %add3A_221 : i32
        %add3A_223 = vector.broadcast %add3A_222 : i32 to vector<16xi32>
        %add3A_224 = arith.addi %broadcast_in_dim3A_10, %add3A_223 : vector<16xi32>
        %gather3A_225 = tpu.vector_load_idx %arg5[%add3A_23, %add3A_224] : memref<256x64xf32, #tpu.memory_space<vmem>>[vector<16xi32>, vector<16xi32>], vector<16xf32>,
        %bitcast3A_226 = vector.bitcast %gather3A_225 : vector<16xf32> to vector<16xi32>
        %shift_right_arithmetic3A_227 = arith.constant 31 : i32
        %shift_right_arithmetic3A_228 = vector.broadcast %shift_right_arithmetic3A_227 : i32 to vector<16xi32>
        %shift_right_arithmetic3A_229 = arith.shrsi %bitcast3A_226, %shift_right_arithmetic3A_228 : vector<16xi32>
        %and3A_230 = arith.constant 2147483647 : i32
        %and3A_231 = vector.broadcast %and3A_230 : i32 to vector<16xi32>
        %and3A_232 = arith.andi %shift_right_arithmetic3A_229, %and3A_231 : vector<16xi32>
        %xor3A_233 = arith.xori %bitcast3A_226, %and3A_232 : vector<16xi32>
        %and3A_234 = arith.constant -64 : i32
        %and3A_235 = vector.broadcast %and3A_234 : i32 to vector<16xi32>
        %and3A_236 = arith.andi %xor3A_233, %and3A_235 : vector<16xi32>
        %sub3A_237 = arith.constant 63 : i32
        %sub3A_238 = arith.subi %sub3A_237, %add3A_222 : i32
        %or3A_239 = vector.broadcast %sub3A_238 : i32 to vector<16xi32>
        %or3A_240 = arith.ori %and3A_236, %or3A_239 : vector<16xi32>
        %gt3A_241 = arith.cmpi sgt, %or3A_240, %select_n3A_204 : vector<16xi32>
        %gt3A_242 = arith.cmpi sgt, %or3A_240, %select_n3A_206 : vector<16xi32>
        %gt3A_243 = arith.cmpi sgt, %or3A_240, %select_n3A_208 : vector<16xi32>
        %gt3A_244 = arith.cmpi sgt, %or3A_240, %select_n3A_210 : vector<16xi32>
        %gt3A_245 = arith.cmpi sgt, %or3A_240, %select_n3A_212 : vector<16xi32>
        %gt3A_246 = arith.cmpi sgt, %or3A_240, %select_n3A_214 : vector<16xi32>
        %gt3A_247 = arith.cmpi sgt, %or3A_240, %select_n3A_216 : vector<16xi32>
        %gt3A_248 = arith.cmpi sgt, %or3A_240, %select_n3A_218 : vector<16xi32>
        %select_n3A_249 = arith.select %gt3A_241, %or3A_240, %select_n3A_204 : vector<16xi1>, vector<16xi32>
        %select_n3A_250 = arith.select %gt3A_241, %select_n3A_204, %or3A_240 : vector<16xi1>, vector<16xi32>
        %select_n3A_251 = arith.select %gt3A_242, %select_n3A_250, %select_n3A_206 : vector<16xi1>, vector<16xi32>
        %select_n3A_252 = arith.select %gt3A_242, %select_n3A_206, %or3A_240 : vector<16xi1>, vector<16xi32>
        %select_n3A_253 = arith.select %gt3A_243, %select_n3A_252, %select_n3A_208 : vector<16xi1>, vector<16xi32>
        %select_n3A_254 = arith.select %gt3A_243, %select_n3A_208, %or3A_240 : vector<16xi1>, vector<16xi32>
        %select_n3A_255 = arith.select %gt3A_244, %select_n3A_254, %select_n3A_210 : vector<16xi1>, vector<16xi32>
        %select_n3A_256 = arith.select %gt3A_244, %select_n3A_210, %or3A_240 : vector<16xi1>, vector<16xi32>
        %select_n3A_257 = arith.select %gt3A_245, %select_n3A_256, %select_n3A_212 : vector<16xi1>, vector<16xi32>
        %select_n3A_258 = arith.select %gt3A_245, %select_n3A_212, %or3A_240 : vector<16xi1>, vector<16xi32>
        %select_n3A_259 = arith.select %gt3A_246, %select_n3A_258, %select_n3A_214 : vector<16xi1>, vector<16xi32>
        %select_n3A_260 = arith.select %gt3A_246, %select_n3A_214, %or3A_240 : vector<16xi1>, vector<16xi32>
        %select_n3A_261 = arith.select %gt3A_247, %select_n3A_260, %select_n3A_216 : vector<16xi1>, vector<16xi32>
        %select_n3A_262 = arith.select %gt3A_247, %select_n3A_216, %or3A_240 : vector<16xi1>, vector<16xi32>
        %select_n3A_263 = arith.select %gt3A_248, %select_n3A_262, %select_n3A_218 : vector<16xi1>, vector<16xi32>
        %mul3A_264 = arith.constant 4 : i32
        %mul3A_265 = arith.muli %scan3A_169, %mul3A_264 : i32
        %add3A_266 = arith.constant 2 : i32
        %add3A_267 = arith.addi %mul3A_265, %add3A_266 : i32
        %add3A_268 = vector.broadcast %add3A_267 : i32 to vector<16xi32>
        %add3A_269 = arith.addi %broadcast_in_dim3A_10, %add3A_268 : vector<16xi32>
        %gather3A_270 = tpu.vector_load_idx %arg5[%add3A_23, %add3A_269] : memref<256x64xf32, #tpu.memory_space<vmem>>[vector<16xi32>, vector<16xi32>], vector<16xf32>,
        %bitcast3A_271 = vector.bitcast %gather3A_270 : vector<16xf32> to vector<16xi32>
        %shift_right_arithmetic3A_272 = arith.constant 31 : i32
        %shift_right_arithmetic3A_273 = vector.broadcast %shift_right_arithmetic3A_272 : i32 to vector<16xi32>
        %shift_right_arithmetic3A_274 = arith.shrsi %bitcast3A_271, %shift_right_arithmetic3A_273 : vector<16xi32>
        %and3A_275 = arith.constant 2147483647 : i32
        %and3A_276 = vector.broadcast %and3A_275 : i32 to vector<16xi32>
        %and3A_277 = arith.andi %shift_right_arithmetic3A_274, %and3A_276 : vector<16xi32>
        %xor3A_278 = arith.xori %bitcast3A_271, %and3A_277 : vector<16xi32>
        %and3A_279 = arith.constant -64 : i32
        %and3A_280 = vector.broadcast %and3A_279 : i32 to vector<16xi32>
        %and3A_281 = arith.andi %xor3A_278, %and3A_280 : vector<16xi32>
        %sub3A_282 = arith.constant 63 : i32
        %sub3A_283 = arith.subi %sub3A_282, %add3A_267 : i32
        %or3A_284 = vector.broadcast %sub3A_283 : i32 to vector<16xi32>
        %or3A_285 = arith.ori %and3A_281, %or3A_284 : vector<16xi32>
        %gt3A_286 = arith.cmpi sgt, %or3A_285, %select_n3A_249 : vector<16xi32>
        %gt3A_287 = arith.cmpi sgt, %or3A_285, %select_n3A_251 : vector<16xi32>
        %gt3A_288 = arith.cmpi sgt, %or3A_285, %select_n3A_253 : vector<16xi32>
        %gt3A_289 = arith.cmpi sgt, %or3A_285, %select_n3A_255 : vector<16xi32>
        %gt3A_290 = arith.cmpi sgt, %or3A_285, %select_n3A_257 : vector<16xi32>
        %gt3A_291 = arith.cmpi sgt, %or3A_285, %select_n3A_259 : vector<16xi32>
        %gt3A_292 = arith.cmpi sgt, %or3A_285, %select_n3A_261 : vector<16xi32>
        %gt3A_293 = arith.cmpi sgt, %or3A_285, %select_n3A_263 : vector<16xi32>
        %select_n3A_294 = arith.select %gt3A_286, %or3A_285, %select_n3A_249 : vector<16xi1>, vector<16xi32>
        %select_n3A_295 = arith.select %gt3A_286, %select_n3A_249, %or3A_285 : vector<16xi1>, vector<16xi32>
        %select_n3A_296 = arith.select %gt3A_287, %select_n3A_295, %select_n3A_251 : vector<16xi1>, vector<16xi32>
        %select_n3A_297 = arith.select %gt3A_287, %select_n3A_251, %or3A_285 : vector<16xi1>, vector<16xi32>
        %select_n3A_298 = arith.select %gt3A_288, %select_n3A_297, %select_n3A_253 : vector<16xi1>, vector<16xi32>
        %select_n3A_299 = arith.select %gt3A_288, %select_n3A_253, %or3A_285 : vector<16xi1>, vector<16xi32>
        %select_n3A_300 = arith.select %gt3A_289, %select_n3A_299, %select_n3A_255 : vector<16xi1>, vector<16xi32>
        %select_n3A_301 = arith.select %gt3A_289, %select_n3A_255, %or3A_285 : vector<16xi1>, vector<16xi32>
        %select_n3A_302 = arith.select %gt3A_290, %select_n3A_301, %select_n3A_257 : vector<16xi1>, vector<16xi32>
        %select_n3A_303 = arith.select %gt3A_290, %select_n3A_257, %or3A_285 : vector<16xi1>, vector<16xi32>
        %select_n3A_304 = arith.select %gt3A_291, %select_n3A_303, %select_n3A_259 : vector<16xi1>, vector<16xi32>
        %select_n3A_305 = arith.select %gt3A_291, %select_n3A_259, %or3A_285 : vector<16xi1>, vector<16xi32>
        %select_n3A_306 = arith.select %gt3A_292, %select_n3A_305, %select_n3A_261 : vector<16xi1>, vector<16xi32>
        %select_n3A_307 = arith.select %gt3A_292, %select_n3A_261, %or3A_285 : vector<16xi1>, vector<16xi32>
        %select_n3A_308 = arith.select %gt3A_293, %select_n3A_307, %select_n3A_263 : vector<16xi1>, vector<16xi32>
        %mul3A_309 = arith.constant 4 : i32
        %mul3A_310 = arith.muli %scan3A_169, %mul3A_309 : i32
        %add3A_311 = arith.constant 3 : i32
        %add3A_312 = arith.addi %mul3A_310, %add3A_311 : i32
        %add3A_313 = vector.broadcast %add3A_312 : i32 to vector<16xi32>
        %add3A_314 = arith.addi %broadcast_in_dim3A_10, %add3A_313 : vector<16xi32>
        %gather3A_315 = tpu.vector_load_idx %arg5[%add3A_23, %add3A_314] : memref<256x64xf32, #tpu.memory_space<vmem>>[vector<16xi32>, vector<16xi32>], vector<16xf32>,
        %bitcast3A_316 = vector.bitcast %gather3A_315 : vector<16xf32> to vector<16xi32>
        %shift_right_arithmetic3A_317 = arith.constant 31 : i32
        %shift_right_arithmetic3A_318 = vector.broadcast %shift_right_arithmetic3A_317 : i32 to vector<16xi32>
        %shift_right_arithmetic3A_319 = arith.shrsi %bitcast3A_316, %shift_right_arithmetic3A_318 : vector<16xi32>
        %and3A_320 = arith.constant 2147483647 : i32
        %and3A_321 = vector.broadcast %and3A_320 : i32 to vector<16xi32>
        %and3A_322 = arith.andi %shift_right_arithmetic3A_319, %and3A_321 : vector<16xi32>
        %xor3A_323 = arith.xori %bitcast3A_316, %and3A_322 : vector<16xi32>
        %and3A_324 = arith.constant -64 : i32
        %and3A_325 = vector.broadcast %and3A_324 : i32 to vector<16xi32>
        %and3A_326 = arith.andi %xor3A_323, %and3A_325 : vector<16xi32>
        %sub3A_327 = arith.constant 63 : i32
        %sub3A_328 = arith.subi %sub3A_327, %add3A_312 : i32
        %or3A_329 = vector.broadcast %sub3A_328 : i32 to vector<16xi32>
        %or3A_330 = arith.ori %and3A_326, %or3A_329 : vector<16xi32>
        %gt3A_331 = arith.cmpi sgt, %or3A_330, %select_n3A_294 : vector<16xi32>
        %gt3A_332 = arith.cmpi sgt, %or3A_330, %select_n3A_296 : vector<16xi32>
        %gt3A_333 = arith.cmpi sgt, %or3A_330, %select_n3A_298 : vector<16xi32>
        %gt3A_334 = arith.cmpi sgt, %or3A_330, %select_n3A_300 : vector<16xi32>
        %gt3A_335 = arith.cmpi sgt, %or3A_330, %select_n3A_302 : vector<16xi32>
        %gt3A_336 = arith.cmpi sgt, %or3A_330, %select_n3A_304 : vector<16xi32>
        %gt3A_337 = arith.cmpi sgt, %or3A_330, %select_n3A_306 : vector<16xi32>
        %gt3A_338 = arith.cmpi sgt, %or3A_330, %select_n3A_308 : vector<16xi32>
        %select_n3A_339 = arith.select %gt3A_331, %or3A_330, %select_n3A_294 : vector<16xi1>, vector<16xi32>
        %select_n3A_340 = arith.select %gt3A_331, %select_n3A_294, %or3A_330 : vector<16xi1>, vector<16xi32>
        %select_n3A_341 = arith.select %gt3A_332, %select_n3A_340, %select_n3A_296 : vector<16xi1>, vector<16xi32>
        %select_n3A_342 = arith.select %gt3A_332, %select_n3A_296, %or3A_330 : vector<16xi1>, vector<16xi32>
        %select_n3A_343 = arith.select %gt3A_333, %select_n3A_342, %select_n3A_298 : vector<16xi1>, vector<16xi32>
        %select_n3A_344 = arith.select %gt3A_333, %select_n3A_298, %or3A_330 : vector<16xi1>, vector<16xi32>
        %select_n3A_345 = arith.select %gt3A_334, %select_n3A_344, %select_n3A_300 : vector<16xi1>, vector<16xi32>
        %select_n3A_346 = arith.select %gt3A_334, %select_n3A_300, %or3A_330 : vector<16xi1>, vector<16xi32>
        %select_n3A_347 = arith.select %gt3A_335, %select_n3A_346, %select_n3A_302 : vector<16xi1>, vector<16xi32>
        %select_n3A_348 = arith.select %gt3A_335, %select_n3A_302, %or3A_330 : vector<16xi1>, vector<16xi32>
        %select_n3A_349 = arith.select %gt3A_336, %select_n3A_348, %select_n3A_304 : vector<16xi1>, vector<16xi32>
        %select_n3A_350 = arith.select %gt3A_336, %select_n3A_304, %or3A_330 : vector<16xi1>, vector<16xi32>
        %select_n3A_351 = arith.select %gt3A_337, %select_n3A_350, %select_n3A_306 : vector<16xi1>, vector<16xi32>
        %select_n3A_352 = arith.select %gt3A_337, %select_n3A_306, %or3A_330 : vector<16xi1>, vector<16xi32>
        %select_n3A_353 = arith.select %gt3A_338, %select_n3A_352, %select_n3A_308 : vector<16xi1>, vector<16xi32>
        scf.yield %select_n3A_339, %select_n3A_341, %select_n3A_343, %select_n3A_345, %select_n3A_347, %select_n3A_349, %select_n3A_351, %select_n3A_353 : vector<16xi32>, vector<16xi32>, vector<16xi32>, vector<16xi32>, vector<16xi32>, vector<16xi32>, vector<16xi32>, vector<16xi32>
      }
      %scan3A_29 = arith.constant 16 : i32
      %and3A = arith.constant 63 : i32
      %and3A_30 = vector.broadcast %and3A : i32 to vector<16xi32>
      %and3A_31 = arith.andi %scan3A_28#0, %and3A_30 : vector<16xi32>
      %sub3A = arith.constant 63 : i32
      %sub3A_32 = vector.broadcast %sub3A : i32 to vector<16xi32>
      %sub3A_33 = arith.subi %sub3A_32, %and3A_31 : vector<16xi32>
      %and3A_34 = arith.constant 63 : i32
      %and3A_35 = vector.broadcast %and3A_34 : i32 to vector<16xi32>
      %and3A_36 = arith.andi %scan3A_28#1, %and3A_35 : vector<16xi32>
      %sub3A_37 = arith.constant 63 : i32
      %sub3A_38 = vector.broadcast %sub3A_37 : i32 to vector<16xi32>
      %sub3A_39 = arith.subi %sub3A_38, %and3A_36 : vector<16xi32>
      %and3A_40 = arith.constant 63 : i32
      %and3A_41 = vector.broadcast %and3A_40 : i32 to vector<16xi32>
      %and3A_42 = arith.andi %scan3A_28#2, %and3A_41 : vector<16xi32>
      %sub3A_43 = arith.constant 63 : i32
      %sub3A_44 = vector.broadcast %sub3A_43 : i32 to vector<16xi32>
      %sub3A_45 = arith.subi %sub3A_44, %and3A_42 : vector<16xi32>
      %and3A_46 = arith.constant 63 : i32
      %and3A_47 = vector.broadcast %and3A_46 : i32 to vector<16xi32>
      %and3A_48 = arith.andi %scan3A_28#3, %and3A_47 : vector<16xi32>
      %sub3A_49 = arith.constant 63 : i32
      %sub3A_50 = vector.broadcast %sub3A_49 : i32 to vector<16xi32>
      %sub3A_51 = arith.subi %sub3A_50, %and3A_48 : vector<16xi32>
      %and3A_52 = arith.constant 63 : i32
      %and3A_53 = vector.broadcast %and3A_52 : i32 to vector<16xi32>
      %and3A_54 = arith.andi %scan3A_28#4, %and3A_53 : vector<16xi32>
      %sub3A_55 = arith.constant 63 : i32
      %sub3A_56 = vector.broadcast %sub3A_55 : i32 to vector<16xi32>
      %sub3A_57 = arith.subi %sub3A_56, %and3A_54 : vector<16xi32>
      %and3A_58 = arith.constant 63 : i32
      %and3A_59 = vector.broadcast %and3A_58 : i32 to vector<16xi32>
      %and3A_60 = arith.andi %scan3A_28#5, %and3A_59 : vector<16xi32>
      %sub3A_61 = arith.constant 63 : i32
      %sub3A_62 = vector.broadcast %sub3A_61 : i32 to vector<16xi32>
      %sub3A_63 = arith.subi %sub3A_62, %and3A_60 : vector<16xi32>
      %and3A_64 = arith.constant 63 : i32
      %and3A_65 = vector.broadcast %and3A_64 : i32 to vector<16xi32>
      %and3A_66 = arith.andi %scan3A_28#6, %and3A_65 : vector<16xi32>
      %sub3A_67 = arith.constant 63 : i32
      %sub3A_68 = vector.broadcast %sub3A_67 : i32 to vector<16xi32>
      %sub3A_69 = arith.subi %sub3A_68, %and3A_66 : vector<16xi32>
      %and3A_70 = arith.constant 63 : i32
      %and3A_71 = vector.broadcast %and3A_70 : i32 to vector<16xi32>
      %and3A_72 = arith.andi %scan3A_28#7, %and3A_71 : vector<16xi32>
      %sub3A_73 = arith.constant 63 : i32
      %sub3A_74 = vector.broadcast %sub3A_73 : i32 to vector<16xi32>
      %sub3A_75 = arith.subi %sub3A_74, %and3A_72 : vector<16xi32>
      %gather3A = tpu.vector_load_idx %arg5[%add3A_23, %sub3A_33] : memref<256x64xf32, #tpu.memory_space<vmem>>[vector<16xi32>, vector<16xi32>], vector<16xf32>,
      %gather3A_76 = tpu.vector_load_idx %arg5[%add3A_23, %sub3A_39] : memref<256x64xf32, #tpu.memory_space<vmem>>[vector<16xi32>, vector<16xi32>], vector<16xf32>,
      %gather3A_77 = tpu.vector_load_idx %arg5[%add3A_23, %sub3A_45] : memref<256x64xf32, #tpu.memory_space<vmem>>[vector<16xi32>, vector<16xi32>], vector<16xf32>,
      %gather3A_78 = tpu.vector_load_idx %arg5[%add3A_23, %sub3A_51] : memref<256x64xf32, #tpu.memory_space<vmem>>[vector<16xi32>, vector<16xi32>], vector<16xf32>,
      %gather3A_79 = tpu.vector_load_idx %arg5[%add3A_23, %sub3A_57] : memref<256x64xf32, #tpu.memory_space<vmem>>[vector<16xi32>, vector<16xi32>], vector<16xf32>,
      %gather3A_80 = tpu.vector_load_idx %arg5[%add3A_23, %sub3A_63] : memref<256x64xf32, #tpu.memory_space<vmem>>[vector<16xi32>, vector<16xi32>], vector<16xf32>,
      %gather3A_81 = tpu.vector_load_idx %arg5[%add3A_23, %sub3A_69] : memref<256x64xf32, #tpu.memory_space<vmem>>[vector<16xi32>, vector<16xi32>], vector<16xf32>,
      %gather3A_82 = tpu.vector_load_idx %arg5[%add3A_23, %sub3A_75] : memref<256x64xf32, #tpu.memory_space<vmem>>[vector<16xi32>, vector<16xi32>], vector<16xf32>,
      %gt3A = arith.cmpf ogt, %gather3A_76, %gather3A : vector<16xf32>
      %select_n3A = arith.select %gt3A, %gather3A_76, %gather3A : vector<16xi1>, vector<16xf32>
      %select_n3A_83 = arith.select %gt3A, %gather3A, %gather3A_76 : vector<16xi1>, vector<16xf32>
      %select_n3A_84 = arith.select %gt3A, %sub3A_39, %sub3A_33 : vector<16xi1>, vector<16xi32>
      %select_n3A_85 = arith.select %gt3A, %sub3A_33, %sub3A_39 : vector<16xi1>, vector<16xi32>
      %gt3A_86 = arith.cmpf ogt, %gather3A_77, %select_n3A_83 : vector<16xf32>
      %select_n3A_87 = arith.select %gt3A_86, %gather3A_77, %select_n3A_83 : vector<16xi1>, vector<16xf32>
      %select_n3A_88 = arith.select %gt3A_86, %select_n3A_83, %gather3A_77 : vector<16xi1>, vector<16xf32>
      %select_n3A_89 = arith.select %gt3A_86, %sub3A_45, %select_n3A_85 : vector<16xi1>, vector<16xi32>
      %select_n3A_90 = arith.select %gt3A_86, %select_n3A_85, %sub3A_45 : vector<16xi1>, vector<16xi32>
      %gt3A_91 = arith.cmpf ogt, %gather3A_78, %select_n3A_88 : vector<16xf32>
      %select_n3A_92 = arith.select %gt3A_91, %gather3A_78, %select_n3A_88 : vector<16xi1>, vector<16xf32>
      %select_n3A_93 = arith.select %gt3A_91, %select_n3A_88, %gather3A_78 : vector<16xi1>, vector<16xf32>
      %select_n3A_94 = arith.select %gt3A_91, %sub3A_51, %select_n3A_90 : vector<16xi1>, vector<16xi32>
      %select_n3A_95 = arith.select %gt3A_91, %select_n3A_90, %sub3A_51 : vector<16xi1>, vector<16xi32>
      %gt3A_96 = arith.cmpf ogt, %gather3A_79, %select_n3A_93 : vector<16xf32>
      %select_n3A_97 = arith.select %gt3A_96, %gather3A_79, %select_n3A_93 : vector<16xi1>, vector<16xf32>
      %select_n3A_98 = arith.select %gt3A_96, %select_n3A_93, %gather3A_79 : vector<16xi1>, vector<16xf32>
      %select_n3A_99 = arith.select %gt3A_96, %sub3A_57, %select_n3A_95 : vector<16xi1>, vector<16xi32>
      %select_n3A_100 = arith.select %gt3A_96, %select_n3A_95, %sub3A_57 : vector<16xi1>, vector<16xi32>
      %gt3A_101 = arith.cmpf ogt, %gather3A_80, %select_n3A_98 : vector<16xf32>
      %select_n3A_102 = arith.select %gt3A_101, %gather3A_80, %select_n3A_98 : vector<16xi1>, vector<16xf32>
      %select_n3A_103 = arith.select %gt3A_101, %select_n3A_98, %gather3A_80 : vector<16xi1>, vector<16xf32>
      %select_n3A_104 = arith.select %gt3A_101, %sub3A_63, %select_n3A_100 : vector<16xi1>, vector<16xi32>
      %select_n3A_105 = arith.select %gt3A_101, %select_n3A_100, %sub3A_63 : vector<16xi1>, vector<16xi32>
      %gt3A_106 = arith.cmpf ogt, %gather3A_81, %select_n3A_103 : vector<16xf32>
      %select_n3A_107 = arith.select %gt3A_106, %gather3A_81, %select_n3A_103 : vector<16xi1>, vector<16xf32>
      %select_n3A_108 = arith.select %gt3A_106, %select_n3A_103, %gather3A_81 : vector<16xi1>, vector<16xf32>
      %select_n3A_109 = arith.select %gt3A_106, %sub3A_69, %select_n3A_105 : vector<16xi1>, vector<16xi32>
      %select_n3A_110 = arith.select %gt3A_106, %select_n3A_105, %sub3A_69 : vector<16xi1>, vector<16xi32>
      %gt3A_111 = arith.cmpf ogt, %gather3A_82, %select_n3A_108 : vector<16xf32>
      %select_n3A_112 = arith.select %gt3A_111, %gather3A_82, %select_n3A_108 : vector<16xi1>, vector<16xf32>
      %select_n3A_113 = arith.select %gt3A_111, %select_n3A_108, %gather3A_82 : vector<16xi1>, vector<16xf32>
      %select_n3A_114 = arith.select %gt3A_111, %sub3A_75, %select_n3A_110 : vector<16xi1>, vector<16xi32>
      %select_n3A_115 = arith.select %gt3A_111, %select_n3A_110, %sub3A_75 : vector<16xi1>, vector<16xi32>
      %sub3A_116 = arith.subf %select_n3A, %select_n3A : vector<16xf32>
      %exp3A = math.exp %sub3A_116 : vector<16xf32>
      %sub3A_117 = arith.subf %select_n3A_87, %select_n3A : vector<16xf32>
      %exp3A_118 = math.exp %sub3A_117 : vector<16xf32>
      %sub3A_119 = arith.subf %select_n3A_92, %select_n3A : vector<16xf32>
      %exp3A_120 = math.exp %sub3A_119 : vector<16xf32>
      %sub3A_121 = arith.subf %select_n3A_97, %select_n3A : vector<16xf32>
      %exp3A_122 = math.exp %sub3A_121 : vector<16xf32>
      %sub3A_123 = arith.subf %select_n3A_102, %select_n3A : vector<16xf32>
      %exp3A_124 = math.exp %sub3A_123 : vector<16xf32>
      %sub3A_125 = arith.subf %select_n3A_107, %select_n3A : vector<16xf32>
      %exp3A_126 = math.exp %sub3A_125 : vector<16xf32>
      %sub3A_127 = arith.subf %select_n3A_112, %select_n3A : vector<16xf32>
      %exp3A_128 = math.exp %sub3A_127 : vector<16xf32>
      %sub3A_129 = arith.subf %select_n3A_113, %select_n3A : vector<16xf32>
      %exp3A_130 = math.exp %sub3A_129 : vector<16xf32>
      %add3A_131 = arith.addf %exp3A, %exp3A_118 : vector<16xf32>
      %add3A_132 = arith.addf %add3A_131, %exp3A_120 : vector<16xf32>
      %add3A_133 = arith.addf %add3A_132, %exp3A_122 : vector<16xf32>
      %add3A_134 = arith.addf %add3A_133, %exp3A_124 : vector<16xf32>
      %add3A_135 = arith.addf %add3A_134, %exp3A_126 : vector<16xf32>
      %add3A_136 = arith.addf %add3A_135, %exp3A_128 : vector<16xf32>
      %add3A_137 = arith.addf %add3A_136, %exp3A_130 : vector<16xf32>
      %div3A = arith.divf %exp3A, %add3A_137 : vector<16xf32>
      tpu.vector_store_idx %arg6[%add3A_23, %select_n3A_84], %div3A : memref<256x64xf32, #tpu.memory_space<vmem>>[vector<16xi32>, vector<16xi32>], vector<16xf32>,
      %add3A_138 = arith.constant 0 : i32
      %add3A_139 = vector.broadcast %add3A_138 : i32 to vector<16xi32>
      %add3A_140 = arith.addi %broadcast_in_dim3A_10, %add3A_139 : vector<16xi32>
      tpu.vector_store_idx %arg7[%add3A_23, %add3A_140], %select_n3A_84 : memref<256x8xi32, #tpu.memory_space<vmem>>[vector<16xi32>, vector<16xi32>], vector<16xi32>,
      %div3A_141 = arith.divf %exp3A_118, %add3A_137 : vector<16xf32>
      tpu.vector_store_idx %arg6[%add3A_23, %select_n3A_89], %div3A_141 : memref<256x64xf32, #tpu.memory_space<vmem>>[vector<16xi32>, vector<16xi32>], vector<16xf32>,
      %add3A_142 = arith.constant 1 : i32
      %add3A_143 = vector.broadcast %add3A_142 : i32 to vector<16xi32>
      %add3A_144 = arith.addi %broadcast_in_dim3A_10, %add3A_143 : vector<16xi32>
      tpu.vector_store_idx %arg7[%add3A_23, %add3A_144], %select_n3A_89 : memref<256x8xi32, #tpu.memory_space<vmem>>[vector<16xi32>, vector<16xi32>], vector<16xi32>,
      %div3A_145 = arith.divf %exp3A_120, %add3A_137 : vector<16xf32>
      tpu.vector_store_idx %arg6[%add3A_23, %select_n3A_94], %div3A_145 : memref<256x64xf32, #tpu.memory_space<vmem>>[vector<16xi32>, vector<16xi32>], vector<16xf32>,
      %add3A_146 = arith.constant 2 : i32
      %add3A_147 = vector.broadcast %add3A_146 : i32 to vector<16xi32>
      %add3A_148 = arith.addi %broadcast_in_dim3A_10, %add3A_147 : vector<16xi32>
      tpu.vector_store_idx %arg7[%add3A_23, %add3A_148], %select_n3A_94 : memref<256x8xi32, #tpu.memory_space<vmem>>[vector<16xi32>, vector<16xi32>], vector<16xi32>,
      %div3A_149 = arith.divf %exp3A_122, %add3A_137 : vector<16xf32>
      tpu.vector_store_idx %arg6[%add3A_23, %select_n3A_99], %div3A_149 : memref<256x64xf32, #tpu.memory_space<vmem>>[vector<16xi32>, vector<16xi32>], vector<16xf32>,
      %add3A_150 = arith.constant 3 : i32
      %add3A_151 = vector.broadcast %add3A_150 : i32 to vector<16xi32>
      %add3A_152 = arith.addi %broadcast_in_dim3A_10, %add3A_151 : vector<16xi32>
      tpu.vector_store_idx %arg7[%add3A_23, %add3A_152], %select_n3A_99 : memref<256x8xi32, #tpu.memory_space<vmem>>[vector<16xi32>, vector<16xi32>], vector<16xi32>,
      %div3A_153 = arith.divf %exp3A_124, %add3A_137 : vector<16xf32>
      tpu.vector_store_idx %arg6[%add3A_23, %select_n3A_104], %div3A_153 : memref<256x64xf32, #tpu.memory_space<vmem>>[vector<16xi32>, vector<16xi32>], vector<16xf32>,
      %add3A_154 = arith.constant 4 : i32
      %add3A_155 = vector.broadcast %add3A_154 : i32 to vector<16xi32>
      %add3A_156 = arith.addi %broadcast_in_dim3A_10, %add3A_155 : vector<16xi32>
      tpu.vector_store_idx %arg7[%add3A_23, %add3A_156], %select_n3A_104 : memref<256x8xi32, #tpu.memory_space<vmem>>[vector<16xi32>, vector<16xi32>], vector<16xi32>,
      %div3A_157 = arith.divf %exp3A_126, %add3A_137 : vector<16xf32>
      tpu.vector_store_idx %arg6[%add3A_23, %select_n3A_109], %div3A_157 : memref<256x64xf32, #tpu.memory_space<vmem>>[vector<16xi32>, vector<16xi32>], vector<16xf32>,
      %add3A_158 = arith.constant 5 : i32
      %add3A_159 = vector.broadcast %add3A_158 : i32 to vector<16xi32>
      %add3A_160 = arith.addi %broadcast_in_dim3A_10, %add3A_159 : vector<16xi32>
      tpu.vector_store_idx %arg7[%add3A_23, %add3A_160], %select_n3A_109 : memref<256x8xi32, #tpu.memory_space<vmem>>[vector<16xi32>, vector<16xi32>], vector<16xi32>,
      %div3A_161 = arith.divf %exp3A_128, %add3A_137 : vector<16xf32>
      tpu.vector_store_idx %arg6[%add3A_23, %select_n3A_114], %div3A_161 : memref<256x64xf32, #tpu.memory_space<vmem>>[vector<16xi32>, vector<16xi32>], vector<16xf32>,
      %add3A_162 = arith.constant 6 : i32
      %add3A_163 = vector.broadcast %add3A_162 : i32 to vector<16xi32>
      %add3A_164 = arith.addi %broadcast_in_dim3A_10, %add3A_163 : vector<16xi32>
      tpu.vector_store_idx %arg7[%add3A_23, %add3A_164], %select_n3A_114 : memref<256x8xi32, #tpu.memory_space<vmem>>[vector<16xi32>, vector<16xi32>], vector<16xi32>,
      %div3A_165 = arith.divf %exp3A_130, %add3A_137 : vector<16xf32>
      tpu.vector_store_idx %arg6[%add3A_23, %select_n3A_115], %div3A_165 : memref<256x64xf32, #tpu.memory_space<vmem>>[vector<16xi32>, vector<16xi32>], vector<16xf32>,
      %add3A_166 = arith.constant 7 : i32
      %add3A_167 = vector.broadcast %add3A_166 : i32 to vector<16xi32>
      %add3A_168 = arith.addi %broadcast_in_dim3A_10, %add3A_167 : vector<16xi32>
      tpu.vector_store_idx %arg7[%add3A_23, %add3A_168], %select_n3A_115 : memref<256x8xi32, #tpu.memory_space<vmem>>[vector<16xi32>, vector<16xi32>], vector<16xi32>,
    }
    %scan3A_18 = arith.constant 16 : i32
    "tpu.region"() ({
      %run_scoped3A = tpu.sem_alloc : memref<!tpu.dma_semaphore, #tpu.memory_space<semaphore_mem>>
      %dma_start3A = arith.constant 0 : i32
      %dma_start3A_19 = tpu.memref_slice %arg3[%mul3A_2, %dma_start3A] : memref<8192x64xf32, #tpu.memory_space<hbm>> -> memref<256x64xf32, #tpu.memory_space<hbm>>
      %dma_start3A_20 = arith.constant 0 : i32
      %dma_start3A_21 = tpu.memref_slice %arg3[%mul3A_2, %dma_start3A_20] : memref<8192x64xf32, #tpu.memory_space<hbm>> -> memref<256x64xf32, #tpu.memory_space<hbm>>
      tpu.enqueue_dma source(%arg6 : memref<256x64xf32, #tpu.memory_space<vmem>>) target(%dma_start3A_21 : memref<256x64xf32, #tpu.memory_space<hbm>>) target_semaphore(%run_scoped3A : memref<!tpu.dma_semaphore, #tpu.memory_space<semaphore_mem>>)
      %dma_wait3A = arith.constant 0 : i32
      %dma_wait3A_22 = tpu.memref_slice %arg3[%mul3A_2, %dma_wait3A] : memref<8192x64xf32, #tpu.memory_space<hbm>> -> memref<256x64xf32, #tpu.memory_space<hbm>>
      %dma_wait3A_23 = arith.constant 0 : i32
      %dma_wait3A_24 = tpu.memref_slice %arg3[%mul3A_2, %dma_wait3A_23] : memref<8192x64xf32, #tpu.memory_space<hbm>> -> memref<256x64xf32, #tpu.memory_space<hbm>>
      tpu.wait_dma2 semaphore(%run_scoped3A : memref<!tpu.dma_semaphore, #tpu.memory_space<semaphore_mem>>) src(%arg6 : memref<256x64xf32, #tpu.memory_space<vmem>>) dst(%dma_wait3A_24 : memref<256x64xf32, #tpu.memory_space<hbm>>)
      tpu.yield
    }) : () -> ()
    "tpu.region"() ({
      %run_scoped3A = tpu.sem_alloc : memref<!tpu.dma_semaphore, #tpu.memory_space<semaphore_mem>>
      %dma_start3A = arith.constant 0 : i32
      %dma_start3A_19 = tpu.memref_slice %arg4[%mul3A_2, %dma_start3A] : memref<8192x8xi32, #tpu.memory_space<hbm>> -> memref<256x8xi32, #tpu.memory_space<hbm>>
      %dma_start3A_20 = arith.constant 0 : i32
      %dma_start3A_21 = tpu.memref_slice %arg4[%mul3A_2, %dma_start3A_20] : memref<8192x8xi32, #tpu.memory_space<hbm>> -> memref<256x8xi32, #tpu.memory_space<hbm>>
      tpu.enqueue_dma source(%arg7 : memref<256x8xi32, #tpu.memory_space<vmem>>) target(%dma_start3A_21 : memref<256x8xi32, #tpu.memory_space<hbm>>) target_semaphore(%run_scoped3A : memref<!tpu.dma_semaphore, #tpu.memory_space<semaphore_mem>>)
      %dma_wait3A = arith.constant 0 : i32
      %dma_wait3A_22 = tpu.memref_slice %arg4[%mul3A_2, %dma_wait3A] : memref<8192x8xi32, #tpu.memory_space<hbm>> -> memref<256x8xi32, #tpu.memory_space<hbm>>
      %dma_wait3A_23 = arith.constant 0 : i32
      %dma_wait3A_24 = tpu.memref_slice %arg4[%mul3A_2, %dma_wait3A_23] : memref<8192x8xi32, #tpu.memory_space<hbm>> -> memref<256x8xi32, #tpu.memory_space<hbm>>
      tpu.wait_dma2 semaphore(%run_scoped3A : memref<!tpu.dma_semaphore, #tpu.memory_space<semaphore_mem>>) src(%arg7 : memref<256x8xi32, #tpu.memory_space<vmem>>) dst(%dma_wait3A_24 : memref<256x8xi32, #tpu.memory_space<hbm>>)
      tpu.yield
    }) : () -> ()
    return
  }
}

module attributes {stable_mosaic.version = 14 : i64} {
  func.func @_matmul_body(%arg0: i32, %arg1: memref<512x4096xf32, #tpu.memory_space<vmem>>, %arg2: memref<4096x128xf32, #tpu.memory_space<vmem>>, %arg3: memref<1x128xf32, #tpu.memory_space<vmem>>, %arg4: memref<512x64xf32, #tpu.memory_space<vmem>>, %arg5: memref<512x64xf32, #tpu.memory_space<vmem>>) attributes {dimension_semantics = [#tpu.dimension_semantics<parallel>], iteration_bounds = array<i64: 16>, scalar_prefetch = 0 : i64, scratch_operands = 0 : i64, tpu.core_type = #tpu.core_type<tc>, window_params = [{transform_indices = @transform_0, window_bounds = array<i64: 512, 4096>}, {pipeline_mode = #tpu.pipeline_mode<synchronous>, transform_indices = @transform_1, window_bounds = array<i64: 4096, 128>}, {pipeline_mode = #tpu.pipeline_mode<synchronous>, transform_indices = @transform_2, window_bounds = array<i64: 1, 128>}, {transform_indices = @transform_3, window_bounds = array<i64: 512, 64>}, {transform_indices = @transform_4, window_bounds = array<i64: 512, 64>}]} {
    %get3A = arith.constant 0 : index
    %get3A_0 = arith.constant 0 : index
    %get3A_1 = vector.load %arg1[%get3A, %get3A_0] : memref<512x4096xf32, #tpu.memory_space<vmem>>, vector<512x4096xf32>
    %get3A_2 = arith.constant 0 : index
    %get3A_3 = arith.constant 0 : index
    %get3A_4 = vector.load %arg2[%get3A_2, %get3A_3] : memref<4096x128xf32, #tpu.memory_space<vmem>>, vector<4096x128xf32>
    %dot_general3A = arith.constant dense<0.000000e+00> : vector<512x128xf32>
    %dot_general3A_5 = tpu.matmul %get3A_1, %get3A_4, %dot_general3A {dimension_numbers = #tpu.dot_dimension_numbers<[1], [0], [0], [1], [0, 0, 1, 1], [], []>, transpose_lhs_hint = false} : vector<512x4096xf32>, vector<4096x128xf32>, vector<512x128xf32> -> vector<512x128xf32>
    %get3A_6 = arith.constant 0 : index
    %get3A_7 = arith.constant 0 : index
    %get3A_8 = vector.load %arg3[%get3A_6, %get3A_7] : memref<1x128xf32, #tpu.memory_space<vmem>>, vector<1x128xf32>
    %add3A = vector.broadcast %get3A_8 : vector<1x128xf32> to vector<512x128xf32>
    %add3A_9 = arith.addf %dot_general3A_5, %add3A : vector<512x128xf32>
    %slice3A = vector.extract_strided_slice %add3A_9 {offsets = [0, 0], sizes = [512, 64], strides = [1, 1]} : vector<512x128xf32> to vector<512x64xf32>
    %slice3A_10 = vector.extract_strided_slice %add3A_9 {offsets = [0, 64], sizes = [512, 64], strides = [1, 1]} : vector<512x128xf32> to vector<512x64xf32>
    %max3A = arith.constant 0.000000e+00 : f32
    %max3A_11 = vector.broadcast %max3A : f32 to vector<512x64xf32>
    %max3A_12 = arith.maximumf %slice3A_10, %max3A_11 : vector<512x64xf32>
    %abs3A = math.absf %slice3A_10 : vector<512x64xf32>
    %neg3A = arith.constant 0.000000e+00 : f32
    %neg3A_13 = vector.broadcast %neg3A : f32 to vector<512x64xf32>
    %neg3A_14 = arith.subf %neg3A_13, %abs3A : vector<512x64xf32>
    %exp3A = math.exp %neg3A_14 : vector<512x64xf32>
    %log1p3A = math.log1p %exp3A : vector<512x64xf32>
    %add3A_15 = arith.addf %max3A_12, %log1p3A : vector<512x64xf32>
    %get3A_16 = arith.constant 0 : index
    %get3A_17 = arith.constant 0 : index
    %get3A_18 = vector.load %arg4[%get3A_16, %get3A_17] : memref<512x64xf32, #tpu.memory_space<vmem>>, vector<512x64xf32>
    %mul3A = arith.mulf %get3A_18, %add3A_15 : vector<512x64xf32>
    %add3A_19 = arith.addf %slice3A, %mul3A : vector<512x64xf32>
    %swap3A = arith.constant 0 : index
    %swap3A_20 = arith.constant 0 : index
    %swap3A_21 = vector.load %arg5[%swap3A, %swap3A_20] : memref<512x64xf32, #tpu.memory_space<vmem>>, vector<512x64xf32>
    tpu.vector_store %arg5[%swap3A, %swap3A_20], %add3A_19 {strides = array<i32>} : memref<512x64xf32, #tpu.memory_space<vmem>>, vector<512x64xf32>,
    return
  }
  func.func @transform_0(%arg0: i32) -> (i32, i32) {
    %c0_i32 = arith.constant 0 : i32
    %c0_i32_0 = arith.constant 0 : i32
    return %arg0, %c0_i32 : i32, i32
  }
  func.func @transform_1(%arg0: i32) -> (i32, i32) {
    %c0_i32 = arith.constant 0 : i32
    %c0_i32_0 = arith.constant 0 : i32
    %c0_i32_1 = arith.constant 0 : i32
    return %c0_i32, %c0_i32_0 : i32, i32
  }
  func.func @transform_2(%arg0: i32) -> (i32, i32) {
    %c0_i32 = arith.constant 0 : i32
    %c0_i32_0 = arith.constant 0 : i32
    %c0_i32_1 = arith.constant 0 : i32
    return %c0_i32, %c0_i32_0 : i32, i32
  }
  func.func @transform_3(%arg0: i32) -> (i32, i32) {
    %c0_i32 = arith.constant 0 : i32
    %c0_i32_0 = arith.constant 0 : i32
    return %arg0, %c0_i32 : i32, i32
  }
  func.func @transform_4(%arg0: i32) -> (i32, i32) {
    %c0_i32 = arith.constant 0 : i32
    %c0_i32_0 = arith.constant 0 : i32
    return %arg0, %c0_i32 : i32, i32
  }
}

</mosaic_0001>

<sc_bundles>
// kernel: kernel.4.cloned.1.call-start
scs
__scs_entry_jumppad:
0x0: {  	(pc) =	sbr.rel $0x88, $3  }
0x1: {  	(tag) =	ssettag $0x0;
	lr =	simm.s32 $0x1  }
0x2: {  	[smem:$0x3F9B] =	sst lr;
	_ =	strace $0xD0000000  }
0x3: {  	_ = 	snop  }
0x4: {  	_ = 	snop  }
0x5: {  	_ = 	snop  }
0x6: {  	_ = 	snop  }
0x7: {  	_ = 	snop  }
__scs_overlays_trampoline_lowered:
0x8: {  	[smem:$0x3FAA] =	sst s0  }
0x9: {  	[smem:$0x3FAB] =	sst s1  }
0xa: {  	[smem:$0x3FAC] =	sst s2  }
0xb: {  	[smem:$0x3FAD] =	sst s3  }
0xc: {  	[smem:$0x3FAE] =	sst s4  }
0xd: {  	[smem:$0x3FAF] =	sst s5  }
0xe: {  	[smem:$0x3FB0] =	sst s6  }
0xf: {  	[smem:$0x3FB1] =	sst s7  }
0x10: {  	[smem:$0x3FB2] =	sst s8  }
0x11: {  	[smem:$0x3FB3] =	sst s9;
	s0 =	simm.s32 @!p0 $0x0  }
0x12: {  	s1 =	sld [smem:$0x3F99];
	s0 =	simm.s32 @p0 $0x1  }
0x13: {  	[smem:$0x3FB4] =	sst s0;
	s0 =	simm.s32 @!p1 $0x0  }
0x14: {  	s2 =	sld [smem:$0x3F98];
	s0 =	simm.s32 @p1 $0x1  }
0x15: {  	[smem:$0x3FB5] =	sst s0;
	s0 =	simm.s32 @!p2 $0x0  }
0x16: {  	s3 =	sld [smem:$0x3FDB];
	s0 =	simm.s32 @p2 $0x1  }
0x17: {  	s4 =	simm.s32 $0x1BF5;
	[smem:$0x3FB7] =	sst s0  }
0x18: {  	s0 =	sld [smem:$0x3F9A];
	_ =	swait.ge [sflag:s4], $0x0  }
0x19: {  	s7 =	sld [smem:$0x3F9B]  }
0x1a: {  	s8 =	sadd.s32 $0xFFFFE003, lr  }
0x1b: {  	s9 =	sadd.s32 $0xFFFFFEF7, lr;
	s5 =	simm.s32 $0xFFFFFFFF;
	p2 =	slt.u32 s8, $0xFFFFF086  }
0x1c: {  	p1 =	slt.u32 s9, $0xF7A;
	s5 =	simm.s32 @!p2 $0x0  }
0x1d: {  	s5 =	simm.s32 @p1 $0x1;
	p0 =	seq.s32 s7, s2  }
0x1e: {  	s7 =	smul.u32 @!p0 $0xF7A, s2;
	p2 =	seq.s32 @!p0 s5, $0x0  }
0x1f: {  	s9 =	smul.u32 $0xF7A, s1;
	s8 =	simm.s32 @!p0 $0x1BF5;
	p2 =	por !p2, p0  }
0x20: {  	[sflag:s8] =	ssyncset.s32 @!p0 $0xFFFFF086;
	s6 =	sadd.s32 @!p0 s3, s7;
	s7 =	simm.s32 @!p0 $0x108  }
0x21: {  	s3 =	sadd.s32 s3, s9;
	s6 =	sadd.s32 @!p0 $0x88, s6;
	s7 =	simm.s32 @p2 $0x1082  }
0x22: {  	[simem:s7], [sflag:s8] =	dma.local @!p0 [hbm:s6], $0xF7A  }
0x23: {  	s9 =	sor.u32 $0xD0000000, s2;
	s6 =	simm.s32 $0x108;
	_ =	swait.ge @!p0 [sflag:s8], $0x0  }
0x24: {  	s3 =	sadd.s32 $0x88, s3;
	s6 =	simm.s32 @!p1 $0x1082;
	[sflag:s4] =	ssyncset.s32 $0xFFFFF086  }
0x25: {  	[simem:s6], [sflag:s4] =	dma.local [hbm:s3], $0xF7A  }
0x26: {  	[smem:$0x3F9B] =	sst s1;
	(tag) =	ssettag s2;
	_ =	strace s9  }
0x27: {  	s1 =	sld [smem:$0x3FAB]  }
0x28: {  	s2 =	sld [smem:$0x3FAC]  }
0x29: {  	s4 =	sld [smem:$0x3FAE]  }
0x2a: {  	p0 =	seq.s32 s5, $0x0;
	s5 =	sld [smem:$0x3FAF]  }
0x2b: {  	s6 =	sld [smem:$0x3FB0]  }
0x2c: {  	s7 =	sld [smem:$0x3FB1]  }
0x2d: {  	s3 =	simm.s32 $0x108;
	s8 =	sld [smem:$0x3FB2]  }
0x2e: {  	s3 =	simm.s32 @!p0 $0x1082;
	s9 =	sld [smem:$0x3FB3]  }
0x2f: {  	lr =	sadd.s32 s0, s3;
	s0 =	sld [smem:$0x3FAA]  }
0x30: {  	s3 =	sld [smem:$0x3FAD]  }
0x31: {  	[smem:$0x3FB6] =	sst s10  }
0x32: {  	s10 =	sld [smem:$0x3FB4];
	_ =	sdelay $0x3  }
0x33: {  	p0 =	seq.s32 s10, $0x1;
	s10 =	sld [smem:$0x3FB6];
	_ =	sdelay $0x3  }
0x34: {  	[smem:$0x3FB6] =	sst s10  }
0x35: {  	s10 =	sld [smem:$0x3FB5];
	_ =	sdelay $0x3  }
0x36: {  	p1 =	seq.s32 s10, $0x1;
	s10 =	sld [smem:$0x3FB6];
	_ =	sdelay $0x3  }
0x37: {  	[smem:$0x3FB6] =	sst s10  }
0x38: {  	s10 =	sld [smem:$0x3FB7]  }
0x39: {  	_ = 	snop;
	(pc) =	sbr.ind lr, $3  }
0x3a: {  	_ = 	snop  }
0x3b: {  	_ = 	snop  }
0x3c: {  	p2 =	seq.s32 s10, $0x1;
	s10 =	sld [smem:$0x3FB6]  }
0x3d: {  	_ =	shalt  }
0x3e: {  	_ =	shalt  }
0x3f: {  	_ =	shalt  }
0x40: {  	_ =	shalt  }
0x41: {  	_ =	shalt  }
0x42: {  	_ =	shalt  }
0x43: {  	_ =	shalt  }
0x44: {  	_ =	shalt  }
0x45: {  	_ =	shalt  }
0x46: {  	_ =	shalt  }
0x47: {  	_ =	shalt  }
0x48: {  	_ =	shalt  }
0x49: {  	_ =	shalt  }
0x4a: {  	_ =	shalt  }
0x4b: {  	_ =	shalt  }
0x4c: {  	_ =	shalt  }
0x4d: {  	_ =	shalt  }
0x4e: {  	_ =	shalt  }
0x4f: {  	_ =	shalt  }
0x50: {  	_ =	shalt  }
0x51: {  	_ =	shalt  }
0x52: {  	_ =	shalt  }
0x53: {  	_ =	shalt  }
0x54: {  	_ =	shalt  }
0x55: {  	_ =	shalt  }
0x56: {  	_ =	shalt  }
0x57: {  	_ =	shalt  }
0x58: {  	_ =	shalt  }
0x59: {  	_ =	shalt  }
0x5a: {  	_ =	shalt  }
0x5b: {  	_ =	shalt  }
0x5c: {  	_ =	shalt  }
0x5d: {  	_ =	shalt  }
0x5e: {  	_ =	shalt  }
0x5f: {  	_ =	shalt  }
0x60: {  	_ =	shalt  }
0x61: {  	_ =	shalt  }
0x62: {  	_ =	shalt  }
0x63: {  	_ =	shalt  }
0x64: {  	_ =	shalt  }
0x65: {  	_ =	shalt  }
0x66: {  	_ =	shalt  }
0x67: {  	_ =	shalt  }
0x68: {  	_ =	shalt  }
0x69: {  	_ =	shalt  }
0x6a: {  	_ =	shalt  }
0x6b: {  	_ =	shalt  }
0x6c: {  	_ =	shalt  }
0x6d: {  	_ =	shalt  }
0x6e: {  	_ =	shalt  }
0x6f: {  	_ =	shalt  }
0x70: {  	_ =	shalt  }
0x71: {  	_ =	shalt  }
0x72: {  	_ =	shalt  }
0x73: {  	_ =	shalt  }
0x74: {  	_ =	shalt  }
0x75: {  	_ =	shalt  }
0x76: {  	_ =	shalt  }
0x77: {  	_ =	shalt  }
0x78: {  	_ =	shalt  }
0x79: {  	_ =	shalt  }
0x7a: {  	_ =	shalt  }
0x7b: {  	_ =	shalt  }
0x7c: {  	_ =	shalt  }
0x7d: {  	_ =	shalt  }
0x7e: {  	_ =	shalt  }
0x7f: {  	_ =	shalt  }
0x80: {  	_ =	shalt  }
0x81: {  	_ =	shalt  }
0x82: {  	_ =	shalt  }
0x83: {  	_ =	shalt  }
0x84: {  	_ =	shalt  }
0x85: {  	_ =	shalt  }
0x86: {  	_ =	shalt  }
0x87: {  	_ =	shalt  }
.Lfunc_end0:
.L_simem_size_0:
called_computation_lowered:
.L_overlay_start_0:
0x88: {  	s2 =	sld [smem:$0x3FD9]  }
0x89: {  	s3 =	sld [smem:$0x3FFE];
	_ =	sdelay $0x1  }
0x8a: {  	s1 =	srdreg.scid  }
0x8b: {  	s0 =	sand.u32 $0x1, s1  }
0x8c: {  	s16 =	sshll.u32 s0, $0xA;
	s2 =	sadd.s32 s3, s2  }
0x8d: {  	s2 =	sadd.s32 s2, s16  }
0x8e: {  	[smem:$0x3FC2] =	sst s2  }
0x8f: {  	_ = 	snop  }
0x90: {  	(tm) =	ssettm $0x1  }
0x91: {  	s17 =	sld [smem:$0x3FFB];
	_ =	sdelay $0x3  }
0x92: {  	_ =	strace s17  }
0x93: {  	s2 =	sld [smem:$0x3FFC];
	_ =	sdelay $0x3  }
0x94: {  	_ =	strace s2  }
0x95: {  	s2 =	sld [smem:$0x3FFD];
	_ =	sdelay $0x3  }
0x96: {  	_ =	strace s2  }
0x97: {  	_ =	strace $0x8FFFFFFF  }
0x98: {  	s18 =	sld [smem:$0x3FDB];
	_ =	sdelay $0x1  }
0x99: {  	s19 =	simm.s32 $_scs_section_size  }
0x9a: {  	s4 =	simm.s32 $_size__tile_overlayer_lowered;
	s5 =	simm.s32 $_tile_overlayer_lowered  }
0x9b: {  	s22 =	simm.s32 $0x1BFF;
	s21 =	sshll.u32 s5, $0x1;
	s2 =	sadd.s32 s19, s18  }
0x9c: {  	s6 =	simm.s32 $0x0;
	s20 =	sshll.u32 s4, $0x1;
	s4 =	sadd.s32 s21, s2  }
0x9d: {  	[timem:s6], [sflag:s22] =	dma.local [hbm:s4], s20  }
0x9e: {  	_ =	swait.ge [sflag:s22], s20  }
0x9f: {  	s3 =	ssub.s32 $0x0, s20;
	[sflag:s22] =	ssyncset.done $0x0  }
0xa0: {  	[sflag:s22] =	ssyncadd.s32 s3;
	_ =	sdelay $0x1  }
0xa1: {  	s23 =	simm.s32 $0x1B8B  }
0xa2: {  	_ =	swait.ge [sflag:s23], $0x1  }
0xa3: {  	[sflag:s23] =	ssyncset.done $0x0  }
0xa4: {  	s25 =	simm.s32 $0x1B8E;
	s24 =	sld [smem:$0x3FFE];
	[sflag:s23] =	ssyncadd.s32 $0xFFFFFFFF  }
0xa5: {  	s26 =	simm.s32 $execute0_lowered;
	[smem:$0x3FD2] =	sst s25  }
0xa6: {  	s4 =	sshll.u32 s26, $0x1;
	_ =	strace $0x80000046;
	[dreg:$0x1] =	wrdreg $0xFFFFFFFF  }
0xa7: {  	s28 =	simm.s32 $_size_execute0_lowered;
	s2 =	sadd.s32 s2, s4;
	[dreg:$0x0] =	wrdreg $0x0  }
0xa8: {  	s4 =	sshll.u32 s28, $0x1;
	[dreg:$0x2] =	wrdreg s2  }
0xa9: {  	[dreg:$0x3] =	wrdreg s4  }
0xaa: {  	[dreg:$0x4] =	wrdreg $0xC0  }
0xab: {  	_ =	task [dreg:s6], $0x5FFFF  }
0xac: {  	[dreg:$0x1] =	wrdreg $0xFFFFFFFF  }
0xad: {  	[dreg:$0x0] =	wrdreg $0x60  }
0xae: {  	[dreg:$0x2] =	wrdreg s24  }
0xaf: {  	[dreg:$0x3] =	wrdreg $0x9  }
0xb0: {  	_ =	task.clear_ibuf [dreg:s6], $0x4FFFF;
	_ =	strace $0x90000046  }
0xb1: {  	s29 =	simm.s32 $0x9;
	_ =	strace $0x80000048  }
0xb2: {  	_ =	swait.ge [sflag:s29], $0x1  }
0xb3: {  	[sflag:s29] =	ssyncadd.s32 $0xFFFFFFFF  }
0xb4: {  	_ =	strace $0x90000048  }
0xb5: {  	_ =	sfence  }
0xb6: {  	s30 =	sld [smem:$0x0];
	_ =	sdelay $0x2  }
0xb7: {  	s31 =	sshll.u32 s1, $0xD;
	s1 =	sshrl.u32 s1, $0x2  }
0xb8: {  	s3 =	sand.u32 $0x4000, s31;
	s1 =	sadd.s32 s1, s30  }
0xb9: {  	s0 =	sor.u32 s3, s0;
	s1 =	sshll.u32 s1, $0x11  }
0xba: {  	s0 =	sor.u32 s1, s0  }
0xbb: {  	s0 =	sadd.s32 $0x8F2B, s0  }
0xbc: {  	[sflag:s0] =	ssyncadd.remote.s32 $0x1  }
0xbd: {  	_ =	sfence.sel $0xFFFF  }
0xbe: {  	[dreg:$0x0] =	wrdreg $0xFFFFFFFF;
	(pc) =	sbr.abs _section_cstart, $3  }
0xbf: {  	[dreg:$0x1] =	wrdreg $0xFFFFFFFF  }
0xc0: {  	_ =	task.clear_ibuf [dreg:s6], $0x2FFFF;
	_ =	strace $0x9FFFFFFF  }
0xc1: {  	(tm) =	ssettm $0x7FFFFFFF  }
tec
execute0_lowered:
.L_overlay_start_1:
0x0: {  	(tag) =	ssettag $0x1  }
0x1: {  	s3 =	rddreg [dreg:$0x0];
	s2 =	srdreg.scid  }
0x2: {  	s0 =	rddreg [dreg:$0x1];
	s1 =	stileid.u32;
	s7 =	simm.s32 $0x1  }
0x3: {  	s8 =	simm.s32 $0x8000;
	s9 =	simm.s32 $0x10000;
	s4 =	sand.u32 $0x1, s2  }
0x4: {  	s10 =	simm.s32 $0x0;
	s5 =	sshll.u32 s1, $0xD;
	s6 =	sshll.u32 s4, $0xC  }
0x5: {  	s2 =	simm.s32 $0x0;
	s4 =	ssub.s32 $0x2, s4;
	s5 =	sor.u32 s6, s5  }
0x6: {  	[smem:$0x7FF] =	sst s2;
	s30 =	sshrl.u32 s4, $0x1;
	s5 =	sadd.s32 s5, s3  }
0x7: {  	v1 =	vlaneseq.u32;
	_ =	strace $0x80000047;
	s31 =	ssub.s32 s4, s30;
	s3 =	sadd.s32 $0x1400, s5  }
0x8: {  	v0 =	vimm.f32 $0.0e+00;
	v1 =	vmul.u32 $0x80, v1;
	s4 =	sadd.s32 $0x21400, s5;
	s5 =	sadd.s32 $0x41400, s5;
	s6 =	smax.u32 s31, $0x1  }
.LBB2_1:
0x9: {  	[tilespmem:s2], [sflag:$0x1] =	stream.linear.gather [hbm4b:s3+s2], $0x8000, $0x38;
	[tilespmem:$0x18000] =	vst v63  }
0xa: {  	_ =	swait.ge [sflag:s7], $0x8000  }
0xb: {  	[sflag:s7] =	ssyncset.done $0x0  }
0xc: {  	s11 =	simm.s32 $0x8080;
	[sflag:s7] =	ssyncadd.s32 $0xFFFF8000  }
0xd: {  	[tilespmem:s11+$0xFFFFFF80] =	vst v0  }
0xe: {  	[tilespmem:s11+$0x30] =	vst v0  }
0xf: {  	[tilespmem:s11+$0x20] =	vst v0  }
0x10: {  	[tilespmem:s11+$0x10] =	vst v0  }
0x11: {  	[tilespmem:s11+$0x0] =	vst v0  }
0x12: {  	[tilespmem:s11+$0xFFFFFFB0] =	vst v0  }
0x13: {  	s12 =	simm.s32 $0x0;
	[tilespmem:s11+$0xFFFFFFA0] =	vst v0  }
.LBB2_2:
0x14: {  	s12 =	sadd.s32 $0x8, s12;
	[tilespmem:s11+$0xFFFFFF90] =	vst v0;
	s11 =	sadd.s32 $0x100, s11  }
0x15: {  	[tilespmem:s11+$0xFFFFFF80] =	vst v0;
	p0 =	slt.u32 s12, $0x3F8  }
0x16: {  	[tilespmem:s11+$0x30] =	vst v0  }
.Ltmp0:
0x17: {  	[tilespmem:s11+$0x20] =	vst v0;
	(pc) =	sbr.rel @p0 .LBB2_2-.Ltmp0, $4  }
0x18: {  	[tilespmem:s11+$0x10] =	vst v0  }
0x19: {  	[tilespmem:s11+$0x0] =	vst v0  }
0x1a: {  	[tilespmem:s11+$0xFFFFFFB0] =	vst v0  }
0x1b: {  	[tilespmem:s11+$0xFFFFFFA0] =	vst v0  }
0x1c: {  	[tilespmem:s11+$0xFFFFFF90] =	vst v0;
	s11 =	simm.s32 $0x0  }
.LBB2_4:
0x1d: {  	s12 =	simm.s32 $0x0  }
0x1e: {  	s13 =	sshll.u32 s11, $0x4;
	v2 =	vmov s12  }
0x1f: {  	v3 =	vmov s13;
	v2 =	vand.u32 $0x7C, v2  }
0x20: {  	v3 =	vshll.u32 v3, $0x7;
	v4 =	vbroadcast v2, $0x0  }
0x21: {  	s26 =	simm.s32 $0x2;
	v2 =	vor.u32 v1, v3  }
0x22: {  	s25 =	simm.s32 $0x1;
	v5 =	vmov s26;
	v4 =	vor.u32 v2, v4  }
0x23: {  	v5 =	vand.u32 $0x7E, v5;
	v3 =	vmov s25  }
0x24: {  	v5 =	vbroadcast v5, $0x0;
	v3 =	vand.u32 $0x7D, v3  }
0x25: {  	v3 =	vbroadcast v3, $0x0  }
0x26: {  	v5 =	vor.u32 v2, v5  }
0x27: {  	v3 =	vor.u32 v2, v3;
	v4 =	vld.idx.msk [tilespmem:v4+s2+$0x0], $0xffff;
	_ =	sdelay $0x3  }
0x28: {  	s28 =	simm.s32 $0x3;
	v5 =	vld.idx.msk [tilespmem:v5+s2+$0x0], $0xffff  }
0x29: {  	v7 =	vmov s28;
	v3 =	vld.idx.msk [tilespmem:v3+s2+$0x0], $0xffff;
	v6 =	vshra.s32 v4, $0x1F  }
0x2a: {  	v7 =	vand.u32 $0x7F, v7;
	v4 =	vand.u32 $0xFFFFFFC0, v4;
	v6 =	vand.u32 $0x7FFFFFC0, v6  }
0x2b: {  	v4 =	vxor.u32 v4, v6;
	v6 =	vbroadcast v7, $0x0;
	_ =	sdelay $0x1  }
0x2c: {  	s29 =	simm.s32 $0x3F;
	v8 =	vimm.s32 $0x80000000;
	v6 =	vor.u32 v2, v6  }
0x2d: {  	v11 =	vand.u32 $0xFFFFFFC0, v5;
	v7 =	vshra.s32 v3, $0x1F;
	v4 =	vor.u32 s29, v4  }
0x2e: {  	v3 =	vand.u32 $0xFFFFFFC0, v3;
	v7 =	vand.u32 $0x7FFFFFC0, v7;
	vm0 =	vlt.s32 v4, v8  }
0x2f: {  	s30 =	simm.s32 $0x3E;
	vm1 =	vgt.s32 v4, v8;
	v3 =	vxor.u32 v3, v7;
	v9 =	vsel vm0, v4, v8  }
0x30: {  	v10 =	vsel vm1, v8, v4;
	v4 =	vsel vm0, v8, v4;
	v7 =	vor.u32 s30, v3  }
0x31: {  	v3 =	vshra.s32 v5, $0x1F;
	v9 =	vsel vm1, v9, v8;
	v8 =	vsel vm1, v10, v8;
	v6 =	vld.idx.msk [tilespmem:v6+s2+$0x0], $0xffff  }
0x32: {  	vm1 =	vlt.s32 v7, v4;
	v3 =	vand.u32 $0x7FFFFFC0, v3;
	vm0 =	vgt.s32 v7, v9  }
0x33: {  	s31 =	simm.s32 $0x3D;
	v10 =	vsel vm1, v7, v4;
	v3 =	vxor.u32 v11, v3;
	vm2 =	vgt.s32 v7, v8  }
0x34: {  	v4 =	vsel vm1, v4, v7;
	v5 =	vsel vm0, v9, v7;
	v3 =	vor.u32 s31, v3  }
0x35: {  	v12 =	vsel vm2, v8, v7;
	v14 =	vsel vm0, v10, v9;
	vm3 =	vmmov vm2  }
0x36: {  	v11 =	vsel vm2, v5, v8;
	v10 =	vsel vm2, v12, v8;
	v5 =	vshra.s32 v6, $0x1F  }
0x37: {  	vm0 =	vlt.s32 v3, v4;
	v6 =	vand.u32 $0xFFFFFFC0, v6;
	v5 =	vand.u32 $0x7FFFFFC0, v5  }
0x38: {  	vm4 =	vgt.s32 v3, v14;
	vm1 =	vgt.s32 v3, v10;
	v16 =	vsel vm0, v3, v4  }
0x39: {  	v13 =	vmovc v8;
	v15 =	vsel vm4, v14, v3;
	v12 =	vsel vm0, v4, v3;
	v9 =	vsel vm1, v10, v3  }
0x3a: {  	s14 =	simm.s32 $0x38;
	s12 =	simm.s32 $0x3C;
	s13 =	simm.s32 $0x7;
	vm0 =	vmmov vm1;
	v4 =	vsel vm1, v9, v10;
	v17 =	vxor.u32 v6, v5;
	v6 =	vmovc v10;
	v5 =	vmovc v10  }
.LBB2_5:
0x3b: {  	s15 =	sadd.s32 $0xFFFFFFFD, s13;
	s16 =	sadd.s32 $0xFFFFFFFE, s13;
	s17 =	sadd.s32 $0xFFFFFFFF, s13;
	v7 =	vsel vm2, v8, v7;
	vm2 =	vgt.s32 v3, v11;
	v8 =	vsel vm4, v16, v14  }
0x3c: {  	p0 =	sne.s32 s13, $0x3F;
	v14 =	vmov s15;
	v16 =	vmov s16;
	v7 =	vsel vm3, v7, v13;
	s15 =	smov.u32 s13;
	s13 =	sadd.s32 $0x4, s13  }
0x3d: {  	v13 =	vand.u32 $0x7C, v14;
	v14 =	vand.u32 $0x7D, v16;
	vm3 =	vgt.s32 v3, v7  }
0x3e: {  	v13 =	vbroadcast v13, $0x0;
	v14 =	vbroadcast v14, $0x0;
	v16 =	vsel vm3, v7, v3  }
0x3f: {  	v18 =	vsel vm2, v11, v3;
	v10 =	vsel vm1, v16, v10;
	v16 =	vor.u32 s12, v17;
	s12 =	smov.u32 s14  }
0x40: {  	v11 =	vsel vm2, v15, v11;
	v13 =	vor.u32 v2, v13;
	v14 =	vor.u32 v2, v14  }
0x41: {  	v15 =	vmov s17;
	v7 =	vsel vm3, v18, v7;
	vm1 =	vgt.s32 v16, v10  }
0x42: {  	v15 =	vand.u32 $0x7E, v15;
	vm3 =	vgt.s32 v16, v11;
	vm4 =	vgt.s32 v16, v7  }
0x43: {  	vm5 =	vgt.s32 v3, v5;
	v15 =	vbroadcast v15, $0x0;
	vm2 =	vgt.s32 v16, v4  }
0x44: {  	vm6 =	vgt.s32 v16, v8;
	vm7 =	vlt.s32 v16, v12;
	v17 =	vsel vm3, v11, v16  }
0x45: {  	v15 =	vor.u32 v2, v15;
	v18 =	vsel vm7, v16, v12;
	v19 =	vsel vm6, v8, v16;
	v13 =	vld.idx.msk [tilespmem:v13+s2+$0x0], $0xffff  }
0x46: {  	v9 =	vsel vm5, v9, v5;
	v3 =	vsel vm5, v5, v3;
	v5 =	vsel vm6, v18, v8  }
0x47: {  	vm5 =	vgt.s32 v16, v9;
	v12 =	vsel vm7, v12, v16;
	v8 =	vld.idx.msk [tilespmem:v14+s2+$0x0], $0xffff;
	v14 =	vsel vm4, v7, v16  }
0x48: {  	v3 =	vsel vm0, v3, v6;
	v6 =	vsel vm2, v4, v16;
	v18 =	vsel vm5, v9, v16  }
0x49: {  	v11 =	vsel vm3, v19, v11;
	v17 =	vsel vm4, v17, v7;
	v14 =	vsel vm1, v14, v10  }
0x4a: {  	vm0 =	vgt.s32 v16, v3;
	v6 =	vsel vm5, v6, v9;
	v7 =	vsel vm1, v10, v16;
	v15 =	vld.idx.msk [tilespmem:v15+s2+$0x0], $0xffff  }
0x4b: {  	v4 =	vsel vm2, v7, v4;
	v9 =	vshra.s32 v13, $0x1F;
	v10 =	vand.u32 $0xFFFFFFC0, v13  }
0x4c: {  	v7 =	vand.u32 $0x7FFFFFC0, v9;
	v9 =	vsel vm0, v18, v3  }
0x4d: {  	s16 =	sadd.s32 $0x3, s14;
	v3 =	vxor.u32 v10, v7;
	v7 =	vshra.s32 v8, $0x1F;
	v8 =	vand.u32 $0xFFFFFFC0, v8  }
0x4e: {  	v10 =	vmov s15;
	v3 =	vor.u32 s16, v3;
	v7 =	vand.u32 $0x7FFFFFC0, v7  }
0x4f: {  	vm2 =	vgt.s32 v3, v5;
	vm3 =	vgt.s32 v3, v11;
	vm0 =	vgt.s32 v3, v9  }
0x50: {  	v10 =	vand.u32 $0x7F, v10;
	vm1 =	vgt.s32 v3, v14;
	vm4 =	vlt.s32 v3, v12  }
0x51: {  	v10 =	vbroadcast v10, $0x0;
	v13 =	vsel vm4, v3, v12;
	v16 =	vsel vm3, v11, v3  }
0x52: {  	v7 =	vxor.u32 v8, v7;
	v12 =	vsel vm4, v12, v3;
	v18 =	vsel vm2, v13, v5  }
0x53: {  	s15 =	sadd.s32 $0x2, s14;
	vm5 =	vgt.s32 v3, v17;
	v19 =	vsel vm1, v14, v3;
	v20 =	vand.u32 $0xFFFFFFC0, v15  }
0x54: {  	v7 =	vor.u32 s15, v7;
	v5 =	vsel vm2, v5, v3;
	v10 =	vor.u32 v2, v10  }
0x55: {  	v8 =	vsel vm3, v5, v11;
	vm4 =	vgt.s32 v7, v18;
	v5 =	vshra.s32 v15, $0x1F  }
0x56: {  	vm6 =	vgt.s32 v3, v4;
	vm2 =	vlt.s32 v7, v12;
	v11 =	vsel vm4, v18, v7  }
0x57: {  	v13 =	vsel vm5, v16, v17;
	v15 =	vsel vm6, v4, v3;
	v5 =	vand.u32 $0x7FFFFFC0, v5  }
0x58: {  	vm7 =	vgt.s32 v3, v6;
	v16 =	vsel vm2, v7, v12;
	v5 =	vxor.u32 v20, v5  }
0x59: {  	s15 =	sadd.s32 $0x1, s14;
	v17 =	vsel vm5, v17, v3;
	v12 =	vsel vm2, v12, v7;
	v20 =	vsel vm7, v6, v3;
	v21 =	vld.idx.msk [tilespmem:v10+s2+$0x0], $0xffff  }
0x5a: {  	v17 =	vsel vm1, v17, v14;
	vm3 =	vgt.s32 v7, v13;
	v3 =	vor.u32 s15, v5  }
0x5b: {  	vm2 =	vgt.s32 v7, v8;
	v9 =	vsel vm0, v20, v9;
	vm0 =	vgt.s32 v7, v17  }
0x5c: {  	v4 =	vsel vm6, v19, v4;
	v6 =	vsel vm7, v15, v6;
	v5 =	vsel vm3, v13, v7  }
0x5d: {  	vm5 =	vgt.s32 v7, v4;
	v14 =	vsel vm4, v16, v18;
	v11 =	vsel vm2, v11, v8  }
0x5e: {  	vm6 =	vgt.s32 v7, v9;
	v10 =	vsel vm0, v5, v17;
	v5 =	vsel vm5, v4, v7  }
0x5f: {  	vm7 =	vgt.s32 v7, v6;
	vm4 =	vgt.s32 v3, v14;
	v15 =	vshra.s32 v21, $0x1F  }
0x60: {  	vm8 =	vlt.s32 v3, v12;
	v5 =	vsel vm7, v5, v6;
	vm1 =	vgt.s32 v3, v10  }
.Ltmp1:
0x61: {  	v16 =	vsel vm8, v3, v12;
	v17 =	vsel vm0, v17, v7;
	v18 =	vsel vm1, v10, v3;
	(pc) =	sbr.rel @p0 .LBB2_5-.Ltmp1, $4  }
0x62: {  	v6 =	vsel vm7, v6, v7;
	v20 =	vand.u32 $0xFFFFFFC0, v21;
	v19 =	vand.u32 $0x7FFFFFC0, v15  }
0x63: {  	v17 =	vsel vm5, v17, v4;
	v6 =	vsel vm6, v6, v9;
	v15 =	vsel vm4, v14, v3  }
0x64: {  	v12 =	vsel vm8, v12, v3;
	vm5 =	vgt.s32 v3, v17;
	vm0 =	vgt.s32 v3, v6  }
0x65: {  	s14 =	sadd.s32 $0xFFFFFFFC, s14;
	v4 =	vsel vm5, v18, v17;
	v9 =	vsel vm5, v17, v3;
	v17 =	vxor.u32 v20, v19  }
0x66: {  	v7 =	vsel vm2, v8, v7;
	vm14 =	vgt.s32 v3, v11  }
0x67: {  	v43 =	vsel vm4, v16, v14;
	v44 =	vor.u32 s12, v17;
	vm8 =	vgt.s32 v3, v5  }
0x68: {  	v7 =	vsel vm3, v7, v13;
	v45 =	vsel vm14, v11, v3;
	v46 =	vsel vm14, v15, v11  }
0x69: {  	vm15 =	vlt.s32 v44, v12;
	vm4 =	vgt.s32 v44, v43;
	vm3 =	vgt.s32 v3, v7  }
0x6a: {  	v47 =	vsel vm15, v44, v12;
	v48 =	vsel vm15, v12, v44;
	vm7 =	vgt.s32 v44, v46  }
0x6b: {  	v8 =	vsel vm4, v43, v44;
	v15 =	vsel vm4, v47, v43;
	v12 =	vandn.u32 $0x3F, v48  }
0x6c: {  	v13 =	vsel vm3, v7, v3;
	v15 =	vandn.u32 $0x3F, v15;
	v49 =	vor.u32 v2, v12  }
0x6d: {  	v7 =	vsel vm3, v45, v7;
	v8 =	vsel vm7, v8, v46;
	v50 =	vor.u32 v2, v15  }
0x6e: {  	v11 =	vsel vm7, v46, v44;
	vm3 =	vgt.s32 v44, v7;
	v8 =	vandn.u32 $0x3F, v8  }
0x6f: {  	v10 =	vsel vm1, v13, v10;
	v11 =	vsel vm3, v11, v7;
	v51 =	vor.u32 v2, v8  }
0x70: {  	vm1 =	vgt.s32 v44, v10;
	v7 =	vsel vm3, v7, v44;
	v11 =	vandn.u32 $0x3F, v11  }
0x71: {  	vm9 =	vgt.s32 v44, v4;
	v7 =	vsel vm1, v7, v10;
	v18 =	vor.u32 v2, v11;
	v17 =	vld.idx.msk [tilespmem:v49+s2+$0x0], $0xffff  }
0x72: {  	v9 =	vsel vm8, v9, v5;
	v10 =	vsel vm1, v10, v44;
	v7 =	vandn.u32 $0x3F, v7;
	v16 =	vld.idx.msk [tilespmem:v50+s2+$0x0], $0xffff  }
0x73: {  	vm10 =	vgt.s32 v44, v9;
	v10 =	vsel vm9, v10, v4;
	v19 =	vor.u32 v2, v7  }
0x74: {  	v52 =	vsel vm9, v4, v44;
	v3 =	vsel vm8, v5, v3;
	v10 =	vandn.u32 $0x3F, v10;
	v13 =	vld.idx.msk [tilespmem:v51+s2+$0x0], $0xffff  }
0x75: {  	v3 =	vsel vm0, v3, v6;
	v4 =	vsel vm10, v52, v9;
	v20 =	vor.u32 v2, v10  }
0x76: {  	vm0 =	vgt.s32 v44, v3;
	v9 =	vsel vm10, v9, v44;
	v4 =	vandn.u32 $0x3F, v4;
	v53 =	vld.idx.msk [tilespmem:v18+s2+$0x0], $0xffff  }
0x77: {  	v3 =	vsel vm0, v9, v3;
	v54 =	vor.u32 v2, v4;
	vm11 =	vgt.f32 v16, v17  }
0x78: {  	v3 =	vandn.u32 $0x3F, v3;
	v55 =	vld.idx.msk [tilespmem:v19+s2+$0x0], $0xffff;
	v56 =	vsel vm11, v17, v16  }
0x79: {  	v59 =	vor.u32 v2, v3;
	v16 =	vsel vm11, v16, v17;
	vm6 =	vgt.f32 v13, v56  }
0x7a: {  	v57 =	vld.idx.msk [tilespmem:v20+s2+$0x0], $0xffff;
	v61 =	vsub.f32 v16, v16;
	v58 =	vsel vm6, v56, v13;
	v13 =	vsel vm6, v13, v56  }
0x7b: {  	vm5 =	vgt.f32 v53, v58;
	v13 =	vsub.f32 v13, v16  }
0x7c: {  	v6 =	vld.idx.msk [tilespmem:v54+s2+$0x0], $0xffff;
	v18 =	vmul.f32 $1.442695020e+00, v61;
	v60 =	vsel vm5, v58, v53;
	v5 =	vsel vm5, v53, v58  }
0x7d: {  	vm12 =	vgt.f32 v55, v60;
	v5 =	vsub.f32 v5, v16  }
0x7e: {  	v62 =	vld.idx.msk [tilespmem:v59+s2+$0x0], $0xffff;
	v13 =	vmul.f32 $1.442695020e+00, v13;
	(erf) = vpow2.f32 v18;
	v21 =	vsel vm12, v60, v55  }
0x7f: {  	v14 =	vsel vm12, v55, v60;
	vm13 =	vgt.f32 v57, v21;
	v5 =	vmul.f32 $1.442695020e+00, v5  }
0x80: {  	(erf) = vpow2.f32 v13;
	v17 =	vsub.f32 v14, v16;
	v63 =	vsel vm13, v21, v57  }
0x81: {  	v9 =	vsel vm13, v57, v21;
	vm14 =	vgt.f32 v6, v63;
	(erf) = vpow2.f32 v5  }
0x82: {  	v21 =	vmul.f32 $1.442695020e+00, v17;
	v9 =	vsub.f32 v9, v16;
	v18 =	vsel vm14, v63, v6  }
0x83: {  	v6 =	vsel vm14, v6, v63;
	vm15 =	vgt.f32 v62, v18  }
0x84: {  	(erf) = vpow2.f32 v21;
	v22 =	vmul.f32 $1.442695020e+00, v9;
	v6 =	vsub.f32 v6, v16  }
0x85: {  	v23 =	vsel vm15, v62, v18  }
0x86: {  	(erf) = vpow2.f32 v22;
	v24 =	vmul.f32 $1.442695020e+00, v6;
	v25 =	vsub.f32 v23, v16  }
0x87: {  	v26 =	vsel vm15, v18, v62  }
0x88: {  	v29 =	vsub.f32 v26, v16;
	v27 =	vpop (erf);
	(erf) = vpow2.f32 v24;
	v28 =	vmul.f32 $1.442695020e+00, v25  }
0x89: {  	v30 =	vpop (erf)  }
0x8a: {  	v31 =	vmul.f32 $1.442695020e+00, v29;
	(erf) = vpow2.f32 v28;
	v32 =	vadd.f32 v30, v27  }
0x8b: {  	v33 =	vpop (erf)  }
0x8c: {  	(erf) = vpow2.f32 v31;
	v34 =	vadd.f32 v33, v32  }
0x8d: {  	v35 =	vpop (erf)  }
0x8e: {  	v5 =	vadd.f32 v35, v34  }
0x8f: {  	v36 =	vpop (erf)  }
0x90: {  	v5 =	vadd.f32 v36, v5  }
0x91: {  	v37 =	vpop (erf)  }
0x92: {  	v5 =	vadd.f32 v37, v5  }
0x93: {  	v38 =	vpop (erf)  }
0x94: {  	v5 =	vadd.f32 v38, v5  }
0x95: {  	v39 =	vpop (erf)  }
0x96: {  	v5 =	vadd.f32 v5, v39;
	_ =	sdelay $0x1  }
0x97: {  	(erf) = vrcp.f32 v5;
	_ =	sdelay $0x5  }
0x98: {  	v40 =	vsel vm11, v15, v12  }
0x99: {  	v12 =	vsel vm11, v12, v15;
	v41 =	vor.u32 v2, v40  }
0x9a: {  	v42 =	vsel vm6, v8, v12  }
0x9b: {  	v8 =	vsel vm6, v12, v8;
	v44 =	vor.u32 v2, v42;
	v43 =	vpop (erf)  }
0x9c: {  	v22 =	vsel vm5, v11, v8;
	v23 =	vor.u32 $0x1, v2;
	v13 =	vmul.f32 v43, v27  }
0x9d: {  	v8 =	vsel vm5, v8, v11;
	v45 =	vor.u32 v2, v22  }
0x9e: {  	v47 =	vor.u32 $0x2, v2;
	v46 =	vsel vm12, v7, v8;
	v9 =	vmul.f32 v43, v30;
	[tilespmem:v41+s8+$0x0] =	vst.idx.msk $0xffff, v13  }
0x9f: {  	v7 =	vsel vm12, v8, v7;
	v48 =	vor.u32 v2, v46;
	[tilespmem:v2+s9+$0x0] =	vst.idx.msk $0xffff, v40  }
0xa0: {  	v50 =	vor.u32 $0x3, v2;
	v8 =	vsel vm13, v10, v7;
	v49 =	vmul.f32 v43, v33;
	[tilespmem:v44+s8+$0x0] =	vst.idx.msk $0xffff, v9  }
0xa1: {  	v7 =	vsel vm13, v7, v10;
	v51 =	vadd.s32 v2, v8;
	[tilespmem:v23+s9+$0x0] =	vst.idx.msk $0xffff, v42  }
0xa2: {  	v53 =	vor.u32 $0x4, v2;
	v52 =	vsel vm14, v4, v7;
	v6 =	vmul.f32 v43, v35;
	[tilespmem:v45+s8+$0x0] =	vst.idx.msk $0xffff, v49  }
0xa3: {  	v4 =	vsel vm14, v7, v4;
	v54 =	vadd.s32 v2, v52;
	[tilespmem:v47+s9+$0x0] =	vst.idx.msk $0xffff, v22  }
0xa4: {  	v57 =	vor.u32 $0x5, v2;
	v55 =	vsel vm15, v3, v4;
	v56 =	vmul.f32 v43, v36;
	[tilespmem:v48+s8+$0x0] =	vst.idx.msk $0xffff, v6  }
0xa5: {  	v58 =	vor.u32 v2, v55;
	[tilespmem:v50+s9+$0x0] =	vst.idx.msk $0xffff, v46  }
0xa6: {  	v60 =	vor.u32 $0x6, v2;
	v3 =	vsel vm15, v4, v3;
	v59 =	vmul.f32 v43, v37;
	[tilespmem:v51+s8+$0x0] =	vst.idx.msk $0xffff, v56  }
0xa7: {  	s11 =	sadd.s32 $0x1, s11;
	v61 =	vor.u32 v2, v3;
	[tilespmem:v53+s9+$0x0] =	vst.idx.msk $0xffff, v8  }
0xa8: {  	p0 =	sne.s32 s11, $0x10;
	v62 =	vmul.f32 v43, v38;
	v2 =	vor.u32 $0x7, v2;
	[tilespmem:v54+s8+$0x0] =	vst.idx.msk $0xffff, v59  }
.Ltmp2:
0xa9: {  	[tilespmem:v57+s9+$0x0] =	vst.idx.msk $0xffff, v52;
	(pc) =	sbr.rel @p0 .LBB2_4-.Ltmp2, $4  }
0xaa: {  	v63 =	vmul.f32 v43, v39;
	[tilespmem:v58+s8+$0x0] =	vst.idx.msk $0xffff, v62  }
0xab: {  	[tilespmem:v60+s9+$0x0] =	vst.idx.msk $0xffff, v55  }
0xac: {  	[tilespmem:v61+s8+$0x0] =	vst.idx.msk $0xffff, v63  }
0xad: {  	[tilespmem:v2+s9+$0x0] =	vst.idx.msk $0xffff, v3  }
0xae: {  	[hbm4b:s4+s2] =	stream.linear.scatter [tilespmem:s8], [sflag:$0x1], $0x8000, $0x38;
	[tilespmem:$0x18000] =	vst v63  }
0xaf: {  	s10 =	sadd.s32 $0x1, s10;
	_ =	swait.ge [sflag:s7], $0x8000  }
0xb0: {  	p0 =	sne.s32 s10, s6;
	[sflag:s7] =	ssyncset.done $0x0  }
.Ltmp3:
0xb1: {  	[sflag:s7] =	ssyncadd.s32 $0xFFFF8000;
	(pc) =	sbr.rel @p0 .LBB2_1-.Ltmp3, $4  }
0xb2: {  	[hbm4b:s5+s2] =	stream.linear.scatter [tilespmem:s9], [sflag:$0x1], $0x8000, $0x38;
	[tilespmem:$0x18000] =	vst v63  }
0xb3: {  	_ =	swait.ge [sflag:s7], $0x8000  }
0xb4: {  	[sflag:s7] =	ssyncset.done $0x0  }
0xb5: {  	[sflag:s7] =	ssyncadd.s32 $0xFFFF8000  }
0xb6: {  	_ =	sfence.sel $0x180000  }
0xb7: {  	[bflag:$0x0] =	sbarrier.arrive $0xFFFF  }
0xb8: {  	p0 =	sne.s32 s1, $0x0;
	_ =	strace $0x90000047  }
0xb9: {  	s0 =	sadd.s32 @!p0 $0x100000, s0;
	[bflag:$0x2] =	sbarrier.arrive $0xFFFF  }
0xba: {  	[sflag:s0] =	ssyncadd.tile.s32 @!p0 $0x1;
	_ =	shalt  }
.Lfunc_end2:
_tile_overlayer_lowered:
.L_overlay_start_2:
0xbb: {  	(tag) =	ssettag $0x2  }
0xbc: {  	s0 =	rddreg [dreg:$0x0];
	s2 =	stileid.u32  }
0xbd: {  	s1 =	rddreg [dreg:$0x1];
	p0 =	sne.s32 s2, $0x0  }
0xbe: {  	s3 =	rddreg [dreg:$0x2];
	[bflag:$0x3] =	sbarrier.arrive $0xFFFF;
	s2 =	simm.s32 @!p0 $0x1C01  }
0xbf: {  	[timem:s3], [sflag:s2] =	dma.local @!p0 [hbm:s0], s1  }
0xc0: {  	s0 =	simm.s32 @!p0 $0x1  }
0xc1: {  	_ =	swait.ge @!p0 [sflag:s0], s1  }
0xc2: {  	s1 =	ssub.s32 @!p0 $0x0, s1;
	[sflag:s0] =	ssyncset.done @!p0 $0x0  }
0xc3: {  	[sflag:s0] =	ssyncadd.s32 @!p0 s1  }
0xc4: {  	[bflag:$0x3] =	sbarrier.arrive $0xFFFF  }
0xc5: {  	_ =	shalt  }

</sc_bundles>
